<compile_context>
chip_gen: v7x
topology: tpu7x:2x2x1
jax: 0.10.2.dev20260603
libtpu: 0.0.44.dev20260713+nightly
codegen_flags: <defaults>
</compile_context>

<pallas_src>
import functools

import jax
import jax.numpy as jnp
from jax import lax
from jax.experimental import pallas as pl
from jax.experimental.pallas import tpu as pltpu
from jax.experimental.pallas import tpu_sc as plsc

D_MODEL = 1024
SEQ = 8192

_info = plsc.get_sparse_core_info()
_NC = _info.num_cores
_NS = _info.num_subcores
_NW = _NC * _NS
_B_PER_W = SEQ // _NW
_CHUNK = 16
_NBUF = 7
_DEFER = 2
_NCHUNK = _B_PER_W // _CHUNK

_mesh = plsc.VectorSubcoreMesh(core_axis_name="c", subcore_axis_name="s")


@functools.partial(
    pl.kernel,
    mesh=_mesh,
    out_type=jax.ShapeDtypeStruct((SEQ, D_MODEL), jnp.float32),
    scratch_types=[
        pltpu.VMEM((_B_PER_W,), jnp.int32),
        pltpu.VMEM((_NBUF, _CHUNK, D_MODEL), jnp.float32),
        pltpu.SemaphoreType.DMA((_NBUF,)),
        pltpu.SemaphoreType.DMA((_NBUF,)),
    ],
)
def _gather_kernel(table_hbm, idx_hbm, out_hbm, idx_v, rows_v, gsem, wsem):
    wid = lax.axis_index("s") * _NC + lax.axis_index("c")
    base = wid * _B_PER_W
    pltpu.sync_copy(idx_hbm.at[pl.ds(base, _B_PER_W)], idx_v)

    def start_gather(c, b):
        return pltpu.async_copy(
            table_hbm.at[idx_v.at[pl.ds(c * _CHUNK, _CHUNK)]],
            rows_v.at[b],
            gsem.at[b],
        )

    def start_write(c, b):
        return pltpu.async_copy(
            rows_v.at[b],
            out_hbm.at[pl.ds(base + c * _CHUNK, _CHUNK)],
            wsem.at[b],
        )

    gathers = [None] * _NBUF
    writes = [None] * _NBUF
    for c in range(min(_NBUF, _NCHUNK)):
        gathers[c] = start_gather(c, c)
    for c in range(_NCHUNK + _DEFER):
        if c < _NCHUNK:
            b = c % _NBUF
            gathers[b].wait()
            writes[b] = start_write(c, b)
        d = c - _DEFER
        if 0 <= d and d + _NBUF < _NCHUNK:
            bd = d % _NBUF
            writes[bd].wait()
            gathers[bd] = start_gather(d + _NBUF, bd)
    for d in range(max(0, _NCHUNK - _NBUF), _NCHUNK):
        writes[d % _NBUF].wait()


def kernel(time_emb, t):
    out = _gather_kernel(time_emb, t)
    return out[None]

# --- scband reference (transcript-rebuilt; emitter-appended) ---
"""Pipeline reference for scband-time-encoding-89275190215562 (READ-ONLY COPY).

The authoritative reference and input builder live on the scoring server;
editing this copy changes nothing except your own understanding.
"""

import jax, jax.numpy as jnp
import numpy as np
import math

D_MODEL = 1024
LEN_MAX = 8192
SEQ_LEN = 8192

def _build_time_emb(len_max, d_model):
    times = jnp.arange(0, len_max, dtype=jnp.float32)
    num_timescales = d_model // 2
    log_timescale_increment = math.log(10000) / (num_timescales - 1)
    inv_timescales = jnp.exp(jnp.arange(0, num_timescales, dtype=jnp.float32) * -log_timescale_increment)
    scaled_time = times[:, None] * inv_timescales[None, :]
    time_emb = jnp.concatenate((jnp.sin(scaled_time), jnp.cos(scaled_time)), axis=1)
    return time_emb

def setup_inputs(seed: int = 0) -> dict:
    key = jax.random.key(seed)
    k_t, = jax.random.split(key, 1)
    t = jax.random.randint(k_t, (SEQ_LEN,), 0, LEN_MAX, dtype=jnp.int64 if jax.config.jax_enable_x64 else jnp.int32).astype(jnp.int32)
    time_emb = _build_time_emb(LEN_MAX, D_MODEL)
    return {"time_emb": time_emb, "t": t}

def reference(time_emb, t):
    # out = time_emb[t, :].unsqueeze(0)
    gathered = jnp.take(time_emb, t, axis=0)
    out = gathered[None, :, :]
    return out

if __name__ == "__main__":
    import jax
    _d = setup_inputs()
    print(jax.jit(kernel)(*tuple(_d.values())))

</pallas_src>

<mosaic_0001>
#map = affine_map<(d0, d1) -> (0, 0)>
#map1 = affine_map<(d0, d1) -> (0)>
module attributes {stable_mosaic.version = 14 : i64} {
  func.func @_gather_kernel(%arg0: i32, %arg1: i32, %arg2: memref<8192x1024xf32, #tpu.memory_space<hbm>>, %arg3: memref<8192xi32, #tpu.memory_space<hbm>>, %arg4: memref<8192x1024xf32, #tpu.memory_space<hbm>>, %arg5: memref<256xi32, #tpu.memory_space<vmem>>, %arg6: memref<7x16x1024xf32, #tpu.memory_space<vmem>>, %arg7: memref<7x!tpu.dma_semaphore, #tpu.memory_space<semaphore_mem>>, %arg8: memref<7x!tpu.dma_semaphore, #tpu.memory_space<semaphore_mem>>) attributes {dimension_semantics = [#tpu.dimension_semantics<core_parallel>, #tpu.dimension_semantics<subcore_parallel>], iteration_bounds = array<i64: 2, 16>, scalar_prefetch = 0 : i64, scratch_operands = 4 : i64, tpu.core_type = #tpu.core_type<sc_vector_subcore>, window_params = [{transform_indices = #map}, {transform_indices = #map1}, {transform_indices = #map}]} {
    %mul3A = arith.constant 2 : i32
    %mul3A_0 = arith.muli %arg1, %mul3A : i32
    %add3A = arith.addi %mul3A_0, %arg0 : i32
    %mul3A_1 = arith.constant 256 : i32
    %mul3A_2 = arith.muli %add3A, %mul3A_1 : i32
    "tpu.region"() ({
      %run_scoped3A = tpu.sem_alloc : memref<!tpu.dma_semaphore, #tpu.memory_space<semaphore_mem>>
      %dma_start3A_961 = tpu.memref_slice %arg3[%mul3A_2] : memref<8192xi32, #tpu.memory_space<hbm>> -> memref<256xi32, #tpu.memory_space<hbm>>
      %dma_start3A_962 = tpu.memref_slice %arg3[%mul3A_2] : memref<8192xi32, #tpu.memory_space<hbm>> -> memref<256xi32, #tpu.memory_space<hbm>>
      tpu.enqueue_dma source(%dma_start3A_962 : memref<256xi32, #tpu.memory_space<hbm>>) target(%arg5 : memref<256xi32, #tpu.memory_space<vmem>>) target_semaphore(%run_scoped3A : memref<!tpu.dma_semaphore, #tpu.memory_space<semaphore_mem>>)
      %dma_wait3A_963 = tpu.memref_slice %arg3[%mul3A_2] : memref<8192xi32, #tpu.memory_space<hbm>> -> memref<256xi32, #tpu.memory_space<hbm>>
      %dma_wait3A_964 = tpu.memref_slice %arg3[%mul3A_2] : memref<8192xi32, #tpu.memory_space<hbm>> -> memref<256xi32, #tpu.memory_space<hbm>>
      tpu.wait_dma2 semaphore(%run_scoped3A : memref<!tpu.dma_semaphore, #tpu.memory_space<semaphore_mem>>) src(%dma_wait3A_964 : memref<256xi32, #tpu.memory_space<hbm>>) dst(%arg5 : memref<256xi32, #tpu.memory_space<vmem>>)
      tpu.yield
    }) : () -> ()
    %dma_start3A = arith.constant 0 : i32
    %dma_start3A_3 = arith.constant 0 : i32
    %dma_start3A_4 = arith.constant 0 : i32
    %dma_start3A_5 = arith.constant 0 : i32
    %dma_start3A_6 = tpu.memref_slice %arg6[%dma_start3A, %dma_start3A_4, %dma_start3A_5] : memref<7x16x1024xf32, #tpu.memory_space<vmem>> -> memref<1x16x1024xf32, #tpu.memory_space<vmem>>
    %dma_start3A_7 = tpu.memref_squeeze %dma_start3A_6 : memref<1x16x1024xf32, #tpu.memory_space<vmem>> -> memref<16x1024xf32, #tpu.memory_space<vmem>>
    %dma_start3A_8 = arith.constant 0 : i32
    %dma_start3A_9 = tpu.memref_slice %arg5[%dma_start3A_8] : memref<256xi32, #tpu.memory_space<vmem>> -> memref<16xi32, #tpu.memory_space<vmem>>
    %dma_start3A_10 = arith.constant 0 : i32
    %dma_start3A_11 = arith.constant 0 : i32
    %dma_start3A_12 = tpu.memref_slice %arg2[%dma_start3A_10, %dma_start3A_11] : memref<8192x1024xf32, #tpu.memory_space<hbm>> -> memref<8192x1024xf32, #tpu.memory_space<hbm>>
    %dma_start3A_13 = tpu.memref_slice %arg7[%dma_start3A_3] : memref<7x!tpu.dma_semaphore, #tpu.memory_space<semaphore_mem>> -> memref<1x!tpu.dma_semaphore, #tpu.memory_space<semaphore_mem>>
    %dma_start3A_14 = tpu.memref_squeeze %dma_start3A_13 : memref<1x!tpu.dma_semaphore, #tpu.memory_space<semaphore_mem>> -> memref<!tpu.dma_semaphore, #tpu.memory_space<semaphore_mem>>
    tpu.enqueue_indirect_dma source(%dma_start3A_12 : memref<8192x1024xf32, #tpu.memory_space<hbm>>) target(%dma_start3A_7 : memref<16x1024xf32, #tpu.memory_space<vmem>>) offsets(%dma_start3A_9 : memref<16xi32, #tpu.memory_space<vmem>>) semaphore(%dma_start3A_14 : memref<!tpu.dma_semaphore, #tpu.memory_space<semaphore_mem>>)
    %dma_start3A_15 = arith.constant 1 : i32
    %dma_start3A_16 = arith.constant 1 : i32
    %dma_start3A_17 = arith.constant 0 : i32
    %dma_start3A_18 = arith.constant 0 : i32
    %dma_start3A_19 = tpu.memref_slice %arg6[%dma_start3A_15, %dma_start3A_17, %dma_start3A_18] : memref<7x16x1024xf32, #tpu.memory_space<vmem>> -> memref<1x16x1024xf32, #tpu.memory_space<vmem>>
    %dma_start3A_20 = tpu.memref_squeeze %dma_start3A_19 : memref<1x16x1024xf32, #tpu.memory_space<vmem>> -> memref<16x1024xf32, #tpu.memory_space<vmem>>
    %dma_start3A_21 = arith.constant 16 : i32
    %dma_start3A_22 = tpu.memref_slice %arg5[%dma_start3A_21] : memref<256xi32, #tpu.memory_space<vmem>> -> memref<16xi32, #tpu.memory_space<vmem>>
    %dma_start3A_23 = arith.constant 0 : i32
    %dma_start3A_24 = arith.constant 0 : i32
    %dma_start3A_25 = tpu.memref_slice %arg2[%dma_start3A_23, %dma_start3A_24] : memref<8192x1024xf32, #tpu.memory_space<hbm>> -> memref<8192x1024xf32, #tpu.memory_space<hbm>>
    %dma_start3A_26 = tpu.memref_slice %arg7[%dma_start3A_16] : memref<7x!tpu.dma_semaphore, #tpu.memory_space<semaphore_mem>> -> memref<1x!tpu.dma_semaphore, #tpu.memory_space<semaphore_mem>>
    %dma_start3A_27 = tpu.memref_squeeze %dma_start3A_26 : memref<1x!tpu.dma_semaphore, #tpu.memory_space<semaphore_mem>> -> memref<!tpu.dma_semaphore, #tpu.memory_space<semaphore_mem>>
    tpu.enqueue_indirect_dma source(%dma_start3A_25 : memref<8192x1024xf32, #tpu.memory_space<hbm>>) target(%dma_start3A_20 : memref<16x1024xf32, #tpu.memory_space<vmem>>) offsets(%dma_start3A_22 : memref<16xi32, #tpu.memory_space<vmem>>) semaphore(%dma_start3A_27 : memref<!tpu.dma_semaphore, #tpu.memory_space<semaphore_mem>>)
    %dma_start3A_28 = arith.constant 2 : i32
    %dma_start3A_29 = arith.constant 2 : i32
    %dma_start3A_30 = arith.constant 0 : i32
    %dma_start3A_31 = arith.constant 0 : i32
    %dma_start3A_32 = tpu.memref_slice %arg6[%dma_start3A_28, %dma_start3A_30, %dma_start3A_31] : memref<7x16x1024xf32, #tpu.memory_space<vmem>> -> memref<1x16x1024xf32, #tpu.memory_space<vmem>>
    %dma_start3A_33 = tpu.memref_squeeze %dma_start3A_32 : memref<1x16x1024xf32, #tpu.memory_space<vmem>> -> memref<16x1024xf32, #tpu.memory_space<vmem>>
    %dma_start3A_34 = arith.constant 32 : i32
    %dma_start3A_35 = tpu.memref_slice %arg5[%dma_start3A_34] : memref<256xi32, #tpu.memory_space<vmem>> -> memref<16xi32, #tpu.memory_space<vmem>>
    %dma_start3A_36 = arith.constant 0 : i32
    %dma_start3A_37 = arith.constant 0 : i32
    %dma_start3A_38 = tpu.memref_slice %arg2[%dma_start3A_36, %dma_start3A_37] : memref<8192x1024xf32, #tpu.memory_space<hbm>> -> memref<8192x1024xf32, #tpu.memory_space<hbm>>
    %dma_start3A_39 = tpu.memref_slice %arg7[%dma_start3A_29] : memref<7x!tpu.dma_semaphore, #tpu.memory_space<semaphore_mem>> -> memref<1x!tpu.dma_semaphore, #tpu.memory_space<semaphore_mem>>
    %dma_start3A_40 = tpu.memref_squeeze %dma_start3A_39 : memref<1x!tpu.dma_semaphore, #tpu.memory_space<semaphore_mem>> -> memref<!tpu.dma_semaphore, #tpu.memory_space<semaphore_mem>>
    tpu.enqueue_indirect_dma source(%dma_start3A_38 : memref<8192x1024xf32, #tpu.memory_space<hbm>>) target(%dma_start3A_33 : memref<16x1024xf32, #tpu.memory_space<vmem>>) offsets(%dma_start3A_35 : memref<16xi32, #tpu.memory_space<vmem>>) semaphore(%dma_start3A_40 : memref<!tpu.dma_semaphore, #tpu.memory_space<semaphore_mem>>)
    %dma_start3A_41 = arith.constant 3 : i32
    %dma_start3A_42 = arith.constant 3 : i32
    %dma_start3A_43 = arith.constant 0 : i32
    %dma_start3A_44 = arith.constant 0 : i32
    %dma_start3A_45 = tpu.memref_slice %arg6[%dma_start3A_41, %dma_start3A_43, %dma_start3A_44] : memref<7x16x1024xf32, #tpu.memory_space<vmem>> -> memref<1x16x1024xf32, #tpu.memory_space<vmem>>
    %dma_start3A_46 = tpu.memref_squeeze %dma_start3A_45 : memref<1x16x1024xf32, #tpu.memory_space<vmem>> -> memref<16x1024xf32, #tpu.memory_space<vmem>>
    %dma_start3A_47 = arith.constant 48 : i32
    %dma_start3A_48 = tpu.memref_slice %arg5[%dma_start3A_47] : memref<256xi32, #tpu.memory_space<vmem>> -> memref<16xi32, #tpu.memory_space<vmem>>
    %dma_start3A_49 = arith.constant 0 : i32
    %dma_start3A_50 = arith.constant 0 : i32
    %dma_start3A_51 = tpu.memref_slice %arg2[%dma_start3A_49, %dma_start3A_50] : memref<8192x1024xf32, #tpu.memory_space<hbm>> -> memref<8192x1024xf32, #tpu.memory_space<hbm>>
    %dma_start3A_52 = tpu.memref_slice %arg7[%dma_start3A_42] : memref<7x!tpu.dma_semaphore, #tpu.memory_space<semaphore_mem>> -> memref<1x!tpu.dma_semaphore, #tpu.memory_space<semaphore_mem>>
    %dma_start3A_53 = tpu.memref_squeeze %dma_start3A_52 : memref<1x!tpu.dma_semaphore, #tpu.memory_space<semaphore_mem>> -> memref<!tpu.dma_semaphore, #tpu.memory_space<semaphore_mem>>
    tpu.enqueue_indirect_dma source(%dma_start3A_51 : memref<8192x1024xf32, #tpu.memory_space<hbm>>) target(%dma_start3A_46 : memref<16x1024xf32, #tpu.memory_space<vmem>>) offsets(%dma_start3A_48 : memref<16xi32, #tpu.memory_space<vmem>>) semaphore(%dma_start3A_53 : memref<!tpu.dma_semaphore, #tpu.memory_space<semaphore_mem>>)
    %dma_start3A_54 = arith.constant 4 : i32
    %dma_start3A_55 = arith.constant 4 : i32
    %dma_start3A_56 = arith.constant 0 : i32
    %dma_start3A_57 = arith.constant 0 : i32
    %dma_start3A_58 = tpu.memref_slice %arg6[%dma_start3A_54, %dma_start3A_56, %dma_start3A_57] : memref<7x16x1024xf32, #tpu.memory_space<vmem>> -> memref<1x16x1024xf32, #tpu.memory_space<vmem>>
    %dma_start3A_59 = tpu.memref_squeeze %dma_start3A_58 : memref<1x16x1024xf32, #tpu.memory_space<vmem>> -> memref<16x1024xf32, #tpu.memory_space<vmem>>
    %dma_start3A_60 = arith.constant 64 : i32
    %dma_start3A_61 = tpu.memref_slice %arg5[%dma_start3A_60] : memref<256xi32, #tpu.memory_space<vmem>> -> memref<16xi32, #tpu.memory_space<vmem>>
    %dma_start3A_62 = arith.constant 0 : i32
    %dma_start3A_63 = arith.constant 0 : i32
    %dma_start3A_64 = tpu.memref_slice %arg2[%dma_start3A_62, %dma_start3A_63] : memref<8192x1024xf32, #tpu.memory_space<hbm>> -> memref<8192x1024xf32, #tpu.memory_space<hbm>>
    %dma_start3A_65 = tpu.memref_slice %arg7[%dma_start3A_55] : memref<7x!tpu.dma_semaphore, #tpu.memory_space<semaphore_mem>> -> memref<1x!tpu.dma_semaphore, #tpu.memory_space<semaphore_mem>>
    %dma_start3A_66 = tpu.memref_squeeze %dma_start3A_65 : memref<1x!tpu.dma_semaphore, #tpu.memory_space<semaphore_mem>> -> memref<!tpu.dma_semaphore, #tpu.memory_space<semaphore_mem>>
    tpu.enqueue_indirect_dma source(%dma_start3A_64 : memref<8192x1024xf32, #tpu.memory_space<hbm>>) target(%dma_start3A_59 : memref<16x1024xf32, #tpu.memory_space<vmem>>) offsets(%dma_start3A_61 : memref<16xi32, #tpu.memory_space<vmem>>) semaphore(%dma_start3A_66 : memref<!tpu.dma_semaphore, #tpu.memory_space<semaphore_mem>>)
    %dma_start3A_67 = arith.constant 5 : i32
    %dma_start3A_68 = arith.constant 5 : i32
    %dma_start3A_69 = arith.constant 0 : i32
    %dma_start3A_70 = arith.constant 0 : i32
    %dma_start3A_71 = tpu.memref_slice %arg6[%dma_start3A_67, %dma_start3A_69, %dma_start3A_70] : memref<7x16x1024xf32, #tpu.memory_space<vmem>> -> memref<1x16x1024xf32, #tpu.memory_space<vmem>>
    %dma_start3A_72 = tpu.memref_squeeze %dma_start3A_71 : memref<1x16x1024xf32, #tpu.memory_space<vmem>> -> memref<16x1024xf32, #tpu.memory_space<vmem>>
    %dma_start3A_73 = arith.constant 80 : i32
    %dma_start3A_74 = tpu.memref_slice %arg5[%dma_start3A_73] : memref<256xi32, #tpu.memory_space<vmem>> -> memref<16xi32, #tpu.memory_space<vmem>>
    %dma_start3A_75 = arith.constant 0 : i32
    %dma_start3A_76 = arith.constant 0 : i32
    %dma_start3A_77 = tpu.memref_slice %arg2[%dma_start3A_75, %dma_start3A_76] : memref<8192x1024xf32, #tpu.memory_space<hbm>> -> memref<8192x1024xf32, #tpu.memory_space<hbm>>
    %dma_start3A_78 = tpu.memref_slice %arg7[%dma_start3A_68] : memref<7x!tpu.dma_semaphore, #tpu.memory_space<semaphore_mem>> -> memref<1x!tpu.dma_semaphore, #tpu.memory_space<semaphore_mem>>
    %dma_start3A_79 = tpu.memref_squeeze %dma_start3A_78 : memref<1x!tpu.dma_semaphore, #tpu.memory_space<semaphore_mem>> -> memref<!tpu.dma_semaphore, #tpu.memory_space<semaphore_mem>>
    tpu.enqueue_indirect_dma source(%dma_start3A_77 : memref<8192x1024xf32, #tpu.memory_space<hbm>>) target(%dma_start3A_72 : memref<16x1024xf32, #tpu.memory_space<vmem>>) offsets(%dma_start3A_74 : memref<16xi32, #tpu.memory_space<vmem>>) semaphore(%dma_start3A_79 : memref<!tpu.dma_semaphore, #tpu.memory_space<semaphore_mem>>)
    %dma_start3A_80 = arith.constant 6 : i32
    %dma_start3A_81 = arith.constant 6 : i32
    %dma_start3A_82 = arith.constant 0 : i32
    %dma_start3A_83 = arith.constant 0 : i32
    %dma_start3A_84 = tpu.memref_slice %arg6[%dma_start3A_80, %dma_start3A_82, %dma_start3A_83] : memref<7x16x1024xf32, #tpu.memory_space<vmem>> -> memref<1x16x1024xf32, #tpu.memory_space<vmem>>
    %dma_start3A_85 = tpu.memref_squeeze %dma_start3A_84 : memref<1x16x1024xf32, #tpu.memory_space<vmem>> -> memref<16x1024xf32, #tpu.memory_space<vmem>>
    %dma_start3A_86 = arith.constant 96 : i32
    %dma_start3A_87 = tpu.memref_slice %arg5[%dma_start3A_86] : memref<256xi32, #tpu.memory_space<vmem>> -> memref<16xi32, #tpu.memory_space<vmem>>
    %dma_start3A_88 = arith.constant 0 : i32
    %dma_start3A_89 = arith.constant 0 : i32
    %dma_start3A_90 = tpu.memref_slice %arg2[%dma_start3A_88, %dma_start3A_89] : memref<8192x1024xf32, #tpu.memory_space<hbm>> -> memref<8192x1024xf32, #tpu.memory_space<hbm>>
    %dma_start3A_91 = tpu.memref_slice %arg7[%dma_start3A_81] : memref<7x!tpu.dma_semaphore, #tpu.memory_space<semaphore_mem>> -> memref<1x!tpu.dma_semaphore, #tpu.memory_space<semaphore_mem>>
    %dma_start3A_92 = tpu.memref_squeeze %dma_start3A_91 : memref<1x!tpu.dma_semaphore, #tpu.memory_space<semaphore_mem>> -> memref<!tpu.dma_semaphore, #tpu.memory_space<semaphore_mem>>
    tpu.enqueue_indirect_dma source(%dma_start3A_90 : memref<8192x1024xf32, #tpu.memory_space<hbm>>) target(%dma_start3A_85 : memref<16x1024xf32, #tpu.memory_space<vmem>>) offsets(%dma_start3A_87 : memref<16xi32, #tpu.memory_space<vmem>>) semaphore(%dma_start3A_92 : memref<!tpu.dma_semaphore, #tpu.memory_space<semaphore_mem>>)
    %dma_wait3A = arith.constant 0 : i32
    %dma_wait3A_93 = arith.constant 0 : i32
    %dma_wait3A_94 = arith.constant 0 : i32
    %dma_wait3A_95 = arith.constant 0 : i32
    %dma_wait3A_96 = tpu.memref_slice %arg6[%dma_wait3A, %dma_wait3A_94, %dma_wait3A_95] : memref<7x16x1024xf32, #tpu.memory_space<vmem>> -> memref<1x16x1024xf32, #tpu.memory_space<vmem>>
    %dma_wait3A_97 = tpu.memref_squeeze %dma_wait3A_96 : memref<1x16x1024xf32, #tpu.memory_space<vmem>> -> memref<16x1024xf32, #tpu.memory_space<vmem>>
    %dma_wait3A_98 = arith.constant 0 : i32
    %dma_wait3A_99 = tpu.memref_slice %arg5[%dma_wait3A_98] : memref<256xi32, #tpu.memory_space<vmem>> -> memref<16xi32, #tpu.memory_space<vmem>>
    %dma_wait3A_100 = arith.constant 0 : i32
    %dma_wait3A_101 = arith.constant 0 : i32
    %dma_wait3A_102 = tpu.memref_slice %arg2[%dma_wait3A_100, %dma_wait3A_101] : memref<8192x1024xf32, #tpu.memory_space<hbm>> -> memref<8192x1024xf32, #tpu.memory_space<hbm>>
    %dma_wait3A_103 = tpu.memref_slice %arg7[%dma_wait3A_93] : memref<7x!tpu.dma_semaphore, #tpu.memory_space<semaphore_mem>> -> memref<1x!tpu.dma_semaphore, #tpu.memory_space<semaphore_mem>>
    %dma_wait3A_104 = tpu.memref_squeeze %dma_wait3A_103 : memref<1x!tpu.dma_semaphore, #tpu.memory_space<semaphore_mem>> -> memref<!tpu.dma_semaphore, #tpu.memory_space<semaphore_mem>>
    tpu.wait_indirect_dma semaphore(%dma_wait3A_104 : memref<!tpu.dma_semaphore, #tpu.memory_space<semaphore_mem>>) src(%dma_wait3A_102 : memref<8192x1024xf32, #tpu.memory_space<hbm>>) dst(%dma_wait3A_97 : memref<16x1024xf32, #tpu.memory_space<vmem>>)
    %add3A_105 = arith.constant 0 : i32
    %add3A_106 = arith.addi %mul3A_2, %add3A_105 : i32
    %dma_start3A_107 = arith.constant 0 : i32
    %dma_start3A_108 = arith.constant 0 : i32
    %dma_start3A_109 = arith.constant 0 : i32
    %dma_start3A_110 = arith.constant 0 : i32
    %dma_start3A_111 = tpu.memref_slice %arg6[%dma_start3A_107, %dma_start3A_109, %dma_start3A_110] : memref<7x16x1024xf32, #tpu.memory_space<vmem>> -> memref<1x16x1024xf32, #tpu.memory_space<vmem>>
    %dma_start3A_112 = tpu.memref_squeeze %dma_start3A_111 : memref<1x16x1024xf32, #tpu.memory_space<vmem>> -> memref<16x1024xf32, #tpu.memory_space<vmem>>
    %dma_start3A_113 = arith.constant 0 : i32
    %dma_start3A_114 = tpu.memref_slice %arg4[%add3A_106, %dma_start3A_113] : memref<8192x1024xf32, #tpu.memory_space<hbm>> -> memref<16x1024xf32, #tpu.memory_space<hbm>>
    %dma_start3A_115 = tpu.memref_slice %arg8[%dma_start3A_108] : memref<7x!tpu.dma_semaphore, #tpu.memory_space<semaphore_mem>> -> memref<1x!tpu.dma_semaphore, #tpu.memory_space<semaphore_mem>>
    %dma_start3A_116 = tpu.memref_squeeze %dma_start3A_115 : memref<1x!tpu.dma_semaphore, #tpu.memory_space<semaphore_mem>> -> memref<!tpu.dma_semaphore, #tpu.memory_space<semaphore_mem>>
    %dma_start3A_117 = arith.constant 0 : i32
    %dma_start3A_118 = tpu.memref_slice %arg4[%add3A_106, %dma_start3A_117] : memref<8192x1024xf32, #tpu.memory_space<hbm>> -> memref<16x1024xf32, #tpu.memory_space<hbm>>
    %dma_start3A_119 = arith.constant 0 : i32
    %dma_start3A_120 = arith.constant 0 : i32
    %dma_start3A_121 = tpu.memref_slice %arg6[%dma_start3A_107, %dma_start3A_119, %dma_start3A_120] : memref<7x16x1024xf32, #tpu.memory_space<vmem>> -> memref<1x16x1024xf32, #tpu.memory_space<vmem>>
    %dma_start3A_122 = tpu.memref_squeeze %dma_start3A_121 : memref<1x16x1024xf32, #tpu.memory_space<vmem>> -> memref<16x1024xf32, #tpu.memory_space<vmem>>
    tpu.enqueue_dma source(%dma_start3A_122 : memref<16x1024xf32, #tpu.memory_space<vmem>>) target(%dma_start3A_118 : memref<16x1024xf32, #tpu.memory_space<hbm>>) target_semaphore(%dma_start3A_116 : memref<!tpu.dma_semaphore, #tpu.memory_space<semaphore_mem>>)
    %dma_wait3A_123 = arith.constant 1 : i32
    %dma_wait3A_124 = arith.constant 1 : i32
    %dma_wait3A_125 = arith.constant 0 : i32
    %dma_wait3A_126 = arith.constant 0 : i32
    %dma_wait3A_127 = tpu.memref_slice %arg6[%dma_wait3A_123, %dma_wait3A_125, %dma_wait3A_126] : memref<7x16x1024xf32, #tpu.memory_space<vmem>> -> memref<1x16x1024xf32, #tpu.memory_space<vmem>>
    %dma_wait3A_128 = tpu.memref_squeeze %dma_wait3A_127 : memref<1x16x1024xf32, #tpu.memory_space<vmem>> -> memref<16x1024xf32, #tpu.memory_space<vmem>>
    %dma_wait3A_129 = arith.constant 16 : i32
    %dma_wait3A_130 = tpu.memref_slice %arg5[%dma_wait3A_129] : memref<256xi32, #tpu.memory_space<vmem>> -> memref<16xi32, #tpu.memory_space<vmem>>
    %dma_wait3A_131 = arith.constant 0 : i32
    %dma_wait3A_132 = arith.constant 0 : i32
    %dma_wait3A_133 = tpu.memref_slice %arg2[%dma_wait3A_131, %dma_wait3A_132] : memref<8192x1024xf32, #tpu.memory_space<hbm>> -> memref<8192x1024xf32, #tpu.memory_space<hbm>>
    %dma_wait3A_134 = tpu.memref_slice %arg7[%dma_wait3A_124] : memref<7x!tpu.dma_semaphore, #tpu.memory_space<semaphore_mem>> -> memref<1x!tpu.dma_semaphore, #tpu.memory_space<semaphore_mem>>
    %dma_wait3A_135 = tpu.memref_squeeze %dma_wait3A_134 : memref<1x!tpu.dma_semaphore, #tpu.memory_space<semaphore_mem>> -> memref<!tpu.dma_semaphore, #tpu.memory_space<semaphore_mem>>
    tpu.wait_indirect_dma semaphore(%dma_wait3A_135 : memref<!tpu.dma_semaphore, #tpu.memory_space<semaphore_mem>>) src(%dma_wait3A_133 : memref<8192x1024xf32, #tpu.memory_space<hbm>>) dst(%dma_wait3A_128 : memref<16x1024xf32, #tpu.memory_space<vmem>>)
    %add3A_136 = arith.constant 16 : i32
    %add3A_137 = arith.addi %mul3A_2, %add3A_136 : i32
    %dma_start3A_138 = arith.constant 1 : i32
    %dma_start3A_139 = arith.constant 1 : i32
    %dma_start3A_140 = arith.constant 0 : i32
    %dma_start3A_141 = arith.constant 0 : i32
    %dma_start3A_142 = tpu.memref_slice %arg6[%dma_start3A_138, %dma_start3A_140, %dma_start3A_141] : memref<7x16x1024xf32, #tpu.memory_space<vmem>> -> memref<1x16x1024xf32, #tpu.memory_space<vmem>>
    %dma_start3A_143 = tpu.memref_squeeze %dma_start3A_142 : memref<1x16x1024xf32, #tpu.memory_space<vmem>> -> memref<16x1024xf32, #tpu.memory_space<vmem>>
    %dma_start3A_144 = arith.constant 0 : i32
    %dma_start3A_145 = tpu.memref_slice %arg4[%add3A_137, %dma_start3A_144] : memref<8192x1024xf32, #tpu.memory_space<hbm>> -> memref<16x1024xf32, #tpu.memory_space<hbm>>
    %dma_start3A_146 = tpu.memref_slice %arg8[%dma_start3A_139] : memref<7x!tpu.dma_semaphore, #tpu.memory_space<semaphore_mem>> -> memref<1x!tpu.dma_semaphore, #tpu.memory_space<semaphore_mem>>
    %dma_start3A_147 = tpu.memref_squeeze %dma_start3A_146 : memref<1x!tpu.dma_semaphore, #tpu.memory_space<semaphore_mem>> -> memref<!tpu.dma_semaphore, #tpu.memory_space<semaphore_mem>>
    %dma_start3A_148 = arith.constant 0 : i32
    %dma_start3A_149 = tpu.memref_slice %arg4[%add3A_137, %dma_start3A_148] : memref<8192x1024xf32, #tpu.memory_space<hbm>> -> memref<16x1024xf32, #tpu.memory_space<hbm>>
    %dma_start3A_150 = arith.constant 0 : i32
    %dma_start3A_151 = arith.constant 0 : i32
    %dma_start3A_152 = tpu.memref_slice %arg6[%dma_start3A_138, %dma_start3A_150, %dma_start3A_151] : memref<7x16x1024xf32, #tpu.memory_space<vmem>> -> memref<1x16x1024xf32, #tpu.memory_space<vmem>>
    %dma_start3A_153 = tpu.memref_squeeze %dma_start3A_152 : memref<1x16x1024xf32, #tpu.memory_space<vmem>> -> memref<16x1024xf32, #tpu.memory_space<vmem>>
    tpu.enqueue_dma source(%dma_start3A_153 : memref<16x1024xf32, #tpu.memory_space<vmem>>) target(%dma_start3A_149 : memref<16x1024xf32, #tpu.memory_space<hbm>>) target_semaphore(%dma_start3A_147 : memref<!tpu.dma_semaphore, #tpu.memory_space<semaphore_mem>>)
    %dma_wait3A_154 = arith.constant 2 : i32
    %dma_wait3A_155 = arith.constant 2 : i32
    %dma_wait3A_156 = arith.constant 0 : i32
    %dma_wait3A_157 = arith.constant 0 : i32
    %dma_wait3A_158 = tpu.memref_slice %arg6[%dma_wait3A_154, %dma_wait3A_156, %dma_wait3A_157] : memref<7x16x1024xf32, #tpu.memory_space<vmem>> -> memref<1x16x1024xf32, #tpu.memory_space<vmem>>
    %dma_wait3A_159 = tpu.memref_squeeze %dma_wait3A_158 : memref<1x16x1024xf32, #tpu.memory_space<vmem>> -> memref<16x1024xf32, #tpu.memory_space<vmem>>
    %dma_wait3A_160 = arith.constant 32 : i32
    %dma_wait3A_161 = tpu.memref_slice %arg5[%dma_wait3A_160] : memref<256xi32, #tpu.memory_space<vmem>> -> memref<16xi32, #tpu.memory_space<vmem>>
    %dma_wait3A_162 = arith.constant 0 : i32
    %dma_wait3A_163 = arith.constant 0 : i32
    %dma_wait3A_164 = tpu.memref_slice %arg2[%dma_wait3A_162, %dma_wait3A_163] : memref<8192x1024xf32, #tpu.memory_space<hbm>> -> memref<8192x1024xf32, #tpu.memory_space<hbm>>
    %dma_wait3A_165 = tpu.memref_slice %arg7[%dma_wait3A_155] : memref<7x!tpu.dma_semaphore, #tpu.memory_space<semaphore_mem>> -> memref<1x!tpu.dma_semaphore, #tpu.memory_space<semaphore_mem>>
    %dma_wait3A_166 = tpu.memref_squeeze %dma_wait3A_165 : memref<1x!tpu.dma_semaphore, #tpu.memory_space<semaphore_mem>> -> memref<!tpu.dma_semaphore, #tpu.memory_space<semaphore_mem>>
    tpu.wait_indirect_dma semaphore(%dma_wait3A_166 : memref<!tpu.dma_semaphore, #tpu.memory_space<semaphore_mem>>) src(%dma_wait3A_164 : memref<8192x1024xf32, #tpu.memory_space<hbm>>) dst(%dma_wait3A_159 : memref<16x1024xf32, #tpu.memory_space<vmem>>)
    %add3A_167 = arith.constant 32 : i32
    %add3A_168 = arith.addi %mul3A_2, %add3A_167 : i32
    %dma_start3A_169 = arith.constant 2 : i32
    %dma_start3A_170 = arith.constant 2 : i32
    %dma_start3A_171 = arith.constant 0 : i32
    %dma_start3A_172 = arith.constant 0 : i32
    %dma_start3A_173 = tpu.memref_slice %arg6[%dma_start3A_169, %dma_start3A_171, %dma_start3A_172] : memref<7x16x1024xf32, #tpu.memory_space<vmem>> -> memref<1x16x1024xf32, #tpu.memory_space<vmem>>
    %dma_start3A_174 = tpu.memref_squeeze %dma_start3A_173 : memref<1x16x1024xf32, #tpu.memory_space<vmem>> -> memref<16x1024xf32, #tpu.memory_space<vmem>>
    %dma_start3A_175 = arith.constant 0 : i32
    %dma_start3A_176 = tpu.memref_slice %arg4[%add3A_168, %dma_start3A_175] : memref<8192x1024xf32, #tpu.memory_space<hbm>> -> memref<16x1024xf32, #tpu.memory_space<hbm>>
    %dma_start3A_177 = tpu.memref_slice %arg8[%dma_start3A_170] : memref<7x!tpu.dma_semaphore, #tpu.memory_space<semaphore_mem>> -> memref<1x!tpu.dma_semaphore, #tpu.memory_space<semaphore_mem>>
    %dma_start3A_178 = tpu.memref_squeeze %dma_start3A_177 : memref<1x!tpu.dma_semaphore, #tpu.memory_space<semaphore_mem>> -> memref<!tpu.dma_semaphore, #tpu.memory_space<semaphore_mem>>
    %dma_start3A_179 = arith.constant 0 : i32
    %dma_start3A_180 = tpu.memref_slice %arg4[%add3A_168, %dma_start3A_179] : memref<8192x1024xf32, #tpu.memory_space<hbm>> -> memref<16x1024xf32, #tpu.memory_space<hbm>>
    %dma_start3A_181 = arith.constant 0 : i32
    %dma_start3A_182 = arith.constant 0 : i32
    %dma_start3A_183 = tpu.memref_slice %arg6[%dma_start3A_169, %dma_start3A_181, %dma_start3A_182] : memref<7x16x1024xf32, #tpu.memory_space<vmem>> -> memref<1x16x1024xf32, #tpu.memory_space<vmem>>
    %dma_start3A_184 = tpu.memref_squeeze %dma_start3A_183 : memref<1x16x1024xf32, #tpu.memory_space<vmem>> -> memref<16x1024xf32, #tpu.memory_space<vmem>>
    tpu.enqueue_dma source(%dma_start3A_184 : memref<16x1024xf32, #tpu.memory_space<vmem>>) target(%dma_start3A_180 : memref<16x1024xf32, #tpu.memory_space<hbm>>) target_semaphore(%dma_start3A_178 : memref<!tpu.dma_semaphore, #tpu.memory_space<semaphore_mem>>)
    %dma_wait3A_185 = arith.constant 0 : i32
    %dma_wait3A_186 = arith.constant 0 : i32
    %dma_wait3A_187 = arith.constant 0 : i32
    %dma_wait3A_188 = arith.constant 0 : i32
    %dma_wait3A_189 = tpu.memref_slice %arg6[%dma_wait3A_185, %dma_wait3A_187, %dma_wait3A_188] : memref<7x16x1024xf32, #tpu.memory_space<vmem>> -> memref<1x16x1024xf32, #tpu.memory_space<vmem>>
    %dma_wait3A_190 = tpu.memref_squeeze %dma_wait3A_189 : memref<1x16x1024xf32, #tpu.memory_space<vmem>> -> memref<16x1024xf32, #tpu.memory_space<vmem>>
    %dma_wait3A_191 = arith.constant 0 : i32
    %dma_wait3A_192 = tpu.memref_slice %arg4[%add3A_106, %dma_wait3A_191] : memref<8192x1024xf32, #tpu.memory_space<hbm>> -> memref<16x1024xf32, #tpu.memory_space<hbm>>
    %dma_wait3A_193 = tpu.memref_slice %arg8[%dma_wait3A_186] : memref<7x!tpu.dma_semaphore, #tpu.memory_space<semaphore_mem>> -> memref<1x!tpu.dma_semaphore, #tpu.memory_space<semaphore_mem>>
    %dma_wait3A_194 = tpu.memref_squeeze %dma_wait3A_193 : memref<1x!tpu.dma_semaphore, #tpu.memory_space<semaphore_mem>> -> memref<!tpu.dma_semaphore, #tpu.memory_space<semaphore_mem>>
    %dma_wait3A_195 = arith.constant 0 : i32
    %dma_wait3A_196 = tpu.memref_slice %arg4[%add3A_106, %dma_wait3A_195] : memref<8192x1024xf32, #tpu.memory_space<hbm>> -> memref<16x1024xf32, #tpu.memory_space<hbm>>
    %dma_wait3A_197 = arith.constant 0 : i32
    %dma_wait3A_198 = arith.constant 0 : i32
    %dma_wait3A_199 = tpu.memref_slice %arg6[%dma_wait3A_185, %dma_wait3A_197, %dma_wait3A_198] : memref<7x16x1024xf32, #tpu.memory_space<vmem>> -> memref<1x16x1024xf32, #tpu.memory_space<vmem>>
    %dma_wait3A_200 = tpu.memref_squeeze %dma_wait3A_199 : memref<1x16x1024xf32, #tpu.memory_space<vmem>> -> memref<16x1024xf32, #tpu.memory_space<vmem>>
    tpu.wait_dma2 semaphore(%dma_wait3A_194 : memref<!tpu.dma_semaphore, #tpu.memory_space<semaphore_mem>>) src(%dma_wait3A_200 : memref<16x1024xf32, #tpu.memory_space<vmem>>) dst(%dma_wait3A_196 : memref<16x1024xf32, #tpu.memory_space<hbm>>)
    %dma_start3A_201 = arith.constant 0 : i32
    %dma_start3A_202 = arith.constant 0 : i32
    %dma_start3A_203 = arith.constant 0 : i32
    %dma_start3A_204 = arith.constant 0 : i32
    %dma_start3A_205 = tpu.memref_slice %arg6[%dma_start3A_201, %dma_start3A_203, %dma_start3A_204] : memref<7x16x1024xf32, #tpu.memory_space<vmem>> -> memref<1x16x1024xf32, #tpu.memory_space<vmem>>
    %dma_start3A_206 = tpu.memref_squeeze %dma_start3A_205 : memref<1x16x1024xf32, #tpu.memory_space<vmem>> -> memref<16x1024xf32, #tpu.memory_space<vmem>>
    %dma_start3A_207 = arith.constant 112 : i32
    %dma_start3A_208 = tpu.memref_slice %arg5[%dma_start3A_207] : memref<256xi32, #tpu.memory_space<vmem>> -> memref<16xi32, #tpu.memory_space<vmem>>
    %dma_start3A_209 = arith.constant 0 : i32
    %dma_start3A_210 = arith.constant 0 : i32
    %dma_start3A_211 = tpu.memref_slice %arg2[%dma_start3A_209, %dma_start3A_210] : memref<8192x1024xf32, #tpu.memory_space<hbm>> -> memref<8192x1024xf32, #tpu.memory_space<hbm>>
    %dma_start3A_212 = tpu.memref_slice %arg7[%dma_start3A_202] : memref<7x!tpu.dma_semaphore, #tpu.memory_space<semaphore_mem>> -> memref<1x!tpu.dma_semaphore, #tpu.memory_space<semaphore_mem>>
    %dma_start3A_213 = tpu.memref_squeeze %dma_start3A_212 : memref<1x!tpu.dma_semaphore, #tpu.memory_space<semaphore_mem>> -> memref<!tpu.dma_semaphore, #tpu.memory_space<semaphore_mem>>
    tpu.enqueue_indirect_dma source(%dma_start3A_211 : memref<8192x1024xf32, #tpu.memory_space<hbm>>) target(%dma_start3A_206 : memref<16x1024xf32, #tpu.memory_space<vmem>>) offsets(%dma_start3A_208 : memref<16xi32, #tpu.memory_space<vmem>>) semaphore(%dma_start3A_213 : memref<!tpu.dma_semaphore, #tpu.memory_space<semaphore_mem>>)
    %dma_wait3A_214 = arith.constant 3 : i32
    %dma_wait3A_215 = arith.constant 3 : i32
    %dma_wait3A_216 = arith.constant 0 : i32
    %dma_wait3A_217 = arith.constant 0 : i32
    %dma_wait3A_218 = tpu.memref_slice %arg6[%dma_wait3A_214, %dma_wait3A_216, %dma_wait3A_217] : memref<7x16x1024xf32, #tpu.memory_space<vmem>> -> memref<1x16x1024xf32, #tpu.memory_space<vmem>>
    %dma_wait3A_219 = tpu.memref_squeeze %dma_wait3A_218 : memref<1x16x1024xf32, #tpu.memory_space<vmem>> -> memref<16x1024xf32, #tpu.memory_space<vmem>>
    %dma_wait3A_220 = arith.constant 48 : i32
    %dma_wait3A_221 = tpu.memref_slice %arg5[%dma_wait3A_220] : memref<256xi32, #tpu.memory_space<vmem>> -> memref<16xi32, #tpu.memory_space<vmem>>
    %dma_wait3A_222 = arith.constant 0 : i32
    %dma_wait3A_223 = arith.constant 0 : i32
    %dma_wait3A_224 = tpu.memref_slice %arg2[%dma_wait3A_222, %dma_wait3A_223] : memref<8192x1024xf32, #tpu.memory_space<hbm>> -> memref<8192x1024xf32, #tpu.memory_space<hbm>>
    %dma_wait3A_225 = tpu.memref_slice %arg7[%dma_wait3A_215] : memref<7x!tpu.dma_semaphore, #tpu.memory_space<semaphore_mem>> -> memref<1x!tpu.dma_semaphore, #tpu.memory_space<semaphore_mem>>
    %dma_wait3A_226 = tpu.memref_squeeze %dma_wait3A_225 : memref<1x!tpu.dma_semaphore, #tpu.memory_space<semaphore_mem>> -> memref<!tpu.dma_semaphore, #tpu.memory_space<semaphore_mem>>
    tpu.wait_indirect_dma semaphore(%dma_wait3A_226 : memref<!tpu.dma_semaphore, #tpu.memory_space<semaphore_mem>>) src(%dma_wait3A_224 : memref<8192x1024xf32, #tpu.memory_space<hbm>>) dst(%dma_wait3A_219 : memref<16x1024xf32, #tpu.memory_space<vmem>>)
    %add3A_227 = arith.constant 48 : i32
    %add3A_228 = arith.addi %mul3A_2, %add3A_227 : i32
    %dma_start3A_229 = arith.constant 3 : i32
    %dma_start3A_230 = arith.constant 3 : i32
    %dma_start3A_231 = arith.constant 0 : i32
    %dma_start3A_232 = arith.constant 0 : i32
    %dma_start3A_233 = tpu.memref_slice %arg6[%dma_start3A_229, %dma_start3A_231, %dma_start3A_232] : memref<7x16x1024xf32, #tpu.memory_space<vmem>> -> memref<1x16x1024xf32, #tpu.memory_space<vmem>>
    %dma_start3A_234 = tpu.memref_squeeze %dma_start3A_233 : memref<1x16x1024xf32, #tpu.memory_space<vmem>> -> memref<16x1024xf32, #tpu.memory_space<vmem>>
    %dma_start3A_235 = arith.constant 0 : i32
    %dma_start3A_236 = tpu.memref_slice %arg4[%add3A_228, %dma_start3A_235] : memref<8192x1024xf32, #tpu.memory_space<hbm>> -> memref<16x1024xf32, #tpu.memory_space<hbm>>
    %dma_start3A_237 = tpu.memref_slice %arg8[%dma_start3A_230] : memref<7x!tpu.dma_semaphore, #tpu.memory_space<semaphore_mem>> -> memref<1x!tpu.dma_semaphore, #tpu.memory_space<semaphore_mem>>
    %dma_start3A_238 = tpu.memref_squeeze %dma_start3A_237 : memref<1x!tpu.dma_semaphore, #tpu.memory_space<semaphore_mem>> -> memref<!tpu.dma_semaphore, #tpu.memory_space<semaphore_mem>>
    %dma_start3A_239 = arith.constant 0 : i32
    %dma_start3A_240 = tpu.memref_slice %arg4[%add3A_228, %dma_start3A_239] : memref<8192x1024xf32, #tpu.memory_space<hbm>> -> memref<16x1024xf32, #tpu.memory_space<hbm>>
    %dma_start3A_241 = arith.constant 0 : i32
    %dma_start3A_242 = arith.constant 0 : i32
    %dma_start3A_243 = tpu.memref_slice %arg6[%dma_start3A_229, %dma_start3A_241, %dma_start3A_242] : memref<7x16x1024xf32, #tpu.memory_space<vmem>> -> memref<1x16x1024xf32, #tpu.memory_space<vmem>>
    %dma_start3A_244 = tpu.memref_squeeze %dma_start3A_243 : memref<1x16x1024xf32, #tpu.memory_space<vmem>> -> memref<16x1024xf32, #tpu.memory_space<vmem>>
    tpu.enqueue_dma source(%dma_start3A_244 : memref<16x1024xf32, #tpu.memory_space<vmem>>) target(%dma_start3A_240 : memref<16x1024xf32, #tpu.memory_space<hbm>>) target_semaphore(%dma_start3A_238 : memref<!tpu.dma_semaphore, #tpu.memory_space<semaphore_mem>>)
    %dma_wait3A_245 = arith.constant 1 : i32
    %dma_wait3A_246 = arith.constant 1 : i32
    %dma_wait3A_247 = arith.constant 0 : i32
    %dma_wait3A_248 = arith.constant 0 : i32
    %dma_wait3A_249 = tpu.memref_slice %arg6[%dma_wait3A_245, %dma_wait3A_247, %dma_wait3A_248] : memref<7x16x1024xf32, #tpu.memory_space<vmem>> -> memref<1x16x1024xf32, #tpu.memory_space<vmem>>
    %dma_wait3A_250 = tpu.memref_squeeze %dma_wait3A_249 : memref<1x16x1024xf32, #tpu.memory_space<vmem>> -> memref<16x1024xf32, #tpu.memory_space<vmem>>
    %dma_wait3A_251 = arith.constant 0 : i32
    %dma_wait3A_252 = tpu.memref_slice %arg4[%add3A_137, %dma_wait3A_251] : memref<8192x1024xf32, #tpu.memory_space<hbm>> -> memref<16x1024xf32, #tpu.memory_space<hbm>>
    %dma_wait3A_253 = tpu.memref_slice %arg8[%dma_wait3A_246] : memref<7x!tpu.dma_semaphore, #tpu.memory_space<semaphore_mem>> -> memref<1x!tpu.dma_semaphore, #tpu.memory_space<semaphore_mem>>
    %dma_wait3A_254 = tpu.memref_squeeze %dma_wait3A_253 : memref<1x!tpu.dma_semaphore, #tpu.memory_space<semaphore_mem>> -> memref<!tpu.dma_semaphore, #tpu.memory_space<semaphore_mem>>
    %dma_wait3A_255 = arith.constant 0 : i32
    %dma_wait3A_256 = tpu.memref_slice %arg4[%add3A_137, %dma_wait3A_255] : memref<8192x1024xf32, #tpu.memory_space<hbm>> -> memref<16x1024xf32, #tpu.memory_space<hbm>>
    %dma_wait3A_257 = arith.constant 0 : i32
    %dma_wait3A_258 = arith.constant 0 : i32
    %dma_wait3A_259 = tpu.memref_slice %arg6[%dma_wait3A_245, %dma_wait3A_257, %dma_wait3A_258] : memref<7x16x1024xf32, #tpu.memory_space<vmem>> -> memref<1x16x1024xf32, #tpu.memory_space<vmem>>
    %dma_wait3A_260 = tpu.memref_squeeze %dma_wait3A_259 : memref<1x16x1024xf32, #tpu.memory_space<vmem>> -> memref<16x1024xf32, #tpu.memory_space<vmem>>
    tpu.wait_dma2 semaphore(%dma_wait3A_254 : memref<!tpu.dma_semaphore, #tpu.memory_space<semaphore_mem>>) src(%dma_wait3A_260 : memref<16x1024xf32, #tpu.memory_space<vmem>>) dst(%dma_wait3A_256 : memref<16x1024xf32, #tpu.memory_space<hbm>>)
    %dma_start3A_261 = arith.constant 1 : i32
    %dma_start3A_262 = arith.constant 1 : i32
    %dma_start3A_263 = arith.constant 0 : i32
    %dma_start3A_264 = arith.constant 0 : i32
    %dma_start3A_265 = tpu.memref_slice %arg6[%dma_start3A_261, %dma_start3A_263, %dma_start3A_264] : memref<7x16x1024xf32, #tpu.memory_space<vmem>> -> memref<1x16x1024xf32, #tpu.memory_space<vmem>>
    %dma_start3A_266 = tpu.memref_squeeze %dma_start3A_265 : memref<1x16x1024xf32, #tpu.memory_space<vmem>> -> memref<16x1024xf32, #tpu.memory_space<vmem>>
    %dma_start3A_267 = arith.constant 128 : i32
    %dma_start3A_268 = tpu.memref_slice %arg5[%dma_start3A_267] : memref<256xi32, #tpu.memory_space<vmem>> -> memref<16xi32, #tpu.memory_space<vmem>>
    %dma_start3A_269 = arith.constant 0 : i32
    %dma_start3A_270 = arith.constant 0 : i32
    %dma_start3A_271 = tpu.memref_slice %arg2[%dma_start3A_269, %dma_start3A_270] : memref<8192x1024xf32, #tpu.memory_space<hbm>> -> memref<8192x1024xf32, #tpu.memory_space<hbm>>
    %dma_start3A_272 = tpu.memref_slice %arg7[%dma_start3A_262] : memref<7x!tpu.dma_semaphore, #tpu.memory_space<semaphore_mem>> -> memref<1x!tpu.dma_semaphore, #tpu.memory_space<semaphore_mem>>
    %dma_start3A_273 = tpu.memref_squeeze %dma_start3A_272 : memref<1x!tpu.dma_semaphore, #tpu.memory_space<semaphore_mem>> -> memref<!tpu.dma_semaphore, #tpu.memory_space<semaphore_mem>>
    tpu.enqueue_indirect_dma source(%dma_start3A_271 : memref<8192x1024xf32, #tpu.memory_space<hbm>>) target(%dma_start3A_266 : memref<16x1024xf32, #tpu.memory_space<vmem>>) offsets(%dma_start3A_268 : memref<16xi32, #tpu.memory_space<vmem>>) semaphore(%dma_start3A_273 : memref<!tpu.dma_semaphore, #tpu.memory_space<semaphore_mem>>)
    %dma_wait3A_274 = arith.constant 4 : i32
    %dma_wait3A_275 = arith.constant 4 : i32
    %dma_wait3A_276 = arith.constant 0 : i32
    %dma_wait3A_277 = arith.constant 0 : i32
    %dma_wait3A_278 = tpu.memref_slice %arg6[%dma_wait3A_274, %dma_wait3A_276, %dma_wait3A_277] : memref<7x16x1024xf32, #tpu.memory_space<vmem>> -> memref<1x16x1024xf32, #tpu.memory_space<vmem>>
    %dma_wait3A_279 = tpu.memref_squeeze %dma_wait3A_278 : memref<1x16x1024xf32, #tpu.memory_space<vmem>> -> memref<16x1024xf32, #tpu.memory_space<vmem>>
    %dma_wait3A_280 = arith.constant 64 : i32
    %dma_wait3A_281 = tpu.memref_slice %arg5[%dma_wait3A_280] : memref<256xi32, #tpu.memory_space<vmem>> -> memref<16xi32, #tpu.memory_space<vmem>>
    %dma_wait3A_282 = arith.constant 0 : i32
    %dma_wait3A_283 = arith.constant 0 : i32
    %dma_wait3A_284 = tpu.memref_slice %arg2[%dma_wait3A_282, %dma_wait3A_283] : memref<8192x1024xf32, #tpu.memory_space<hbm>> -> memref<8192x1024xf32, #tpu.memory_space<hbm>>
    %dma_wait3A_285 = tpu.memref_slice %arg7[%dma_wait3A_275] : memref<7x!tpu.dma_semaphore, #tpu.memory_space<semaphore_mem>> -> memref<1x!tpu.dma_semaphore, #tpu.memory_space<semaphore_mem>>
    %dma_wait3A_286 = tpu.memref_squeeze %dma_wait3A_285 : memref<1x!tpu.dma_semaphore, #tpu.memory_space<semaphore_mem>> -> memref<!tpu.dma_semaphore, #tpu.memory_space<semaphore_mem>>
    tpu.wait_indirect_dma semaphore(%dma_wait3A_286 : memref<!tpu.dma_semaphore, #tpu.memory_space<semaphore_mem>>) src(%dma_wait3A_284 : memref<8192x1024xf32, #tpu.memory_space<hbm>>) dst(%dma_wait3A_279 : memref<16x1024xf32, #tpu.memory_space<vmem>>)
    %add3A_287 = arith.constant 64 : i32
    %add3A_288 = arith.addi %mul3A_2, %add3A_287 : i32
    %dma_start3A_289 = arith.constant 4 : i32
    %dma_start3A_290 = arith.constant 4 : i32
    %dma_start3A_291 = arith.constant 0 : i32
    %dma_start3A_292 = arith.constant 0 : i32
    %dma_start3A_293 = tpu.memref_slice %arg6[%dma_start3A_289, %dma_start3A_291, %dma_start3A_292] : memref<7x16x1024xf32, #tpu.memory_space<vmem>> -> memref<1x16x1024xf32, #tpu.memory_space<vmem>>
    %dma_start3A_294 = tpu.memref_squeeze %dma_start3A_293 : memref<1x16x1024xf32, #tpu.memory_space<vmem>> -> memref<16x1024xf32, #tpu.memory_space<vmem>>
    %dma_start3A_295 = arith.constant 0 : i32
    %dma_start3A_296 = tpu.memref_slice %arg4[%add3A_288, %dma_start3A_295] : memref<8192x1024xf32, #tpu.memory_space<hbm>> -> memref<16x1024xf32, #tpu.memory_space<hbm>>
    %dma_start3A_297 = tpu.memref_slice %arg8[%dma_start3A_290] : memref<7x!tpu.dma_semaphore, #tpu.memory_space<semaphore_mem>> -> memref<1x!tpu.dma_semaphore, #tpu.memory_space<semaphore_mem>>
    %dma_start3A_298 = tpu.memref_squeeze %dma_start3A_297 : memref<1x!tpu.dma_semaphore, #tpu.memory_space<semaphore_mem>> -> memref<!tpu.dma_semaphore, #tpu.memory_space<semaphore_mem>>
    %dma_start3A_299 = arith.constant 0 : i32
    %dma_start3A_300 = tpu.memref_slice %arg4[%add3A_288, %dma_start3A_299] : memref<8192x1024xf32, #tpu.memory_space<hbm>> -> memref<16x1024xf32, #tpu.memory_space<hbm>>
    %dma_start3A_301 = arith.constant 0 : i32
    %dma_start3A_302 = arith.constant 0 : i32
    %dma_start3A_303 = tpu.memref_slice %arg6[%dma_start3A_289, %dma_start3A_301, %dma_start3A_302] : memref<7x16x1024xf32, #tpu.memory_space<vmem>> -> memref<1x16x1024xf32, #tpu.memory_space<vmem>>
    %dma_start3A_304 = tpu.memref_squeeze %dma_start3A_303 : memref<1x16x1024xf32, #tpu.memory_space<vmem>> -> memref<16x1024xf32, #tpu.memory_space<vmem>>
    tpu.enqueue_dma source(%dma_start3A_304 : memref<16x1024xf32, #tpu.memory_space<vmem>>) target(%dma_start3A_300 : memref<16x1024xf32, #tpu.memory_space<hbm>>) target_semaphore(%dma_start3A_298 : memref<!tpu.dma_semaphore, #tpu.memory_space<semaphore_mem>>)
    %dma_wait3A_305 = arith.constant 2 : i32
    %dma_wait3A_306 = arith.constant 2 : i32
    %dma_wait3A_307 = arith.constant 0 : i32
    %dma_wait3A_308 = arith.constant 0 : i32
    %dma_wait3A_309 = tpu.memref_slice %arg6[%dma_wait3A_305, %dma_wait3A_307, %dma_wait3A_308] : memref<7x16x1024xf32, #tpu.memory_space<vmem>> -> memref<1x16x1024xf32, #tpu.memory_space<vmem>>
    %dma_wait3A_310 = tpu.memref_squeeze %dma_wait3A_309 : memref<1x16x1024xf32, #tpu.memory_space<vmem>> -> memref<16x1024xf32, #tpu.memory_space<vmem>>
    %dma_wait3A_311 = arith.constant 0 : i32
    %dma_wait3A_312 = tpu.memref_slice %arg4[%add3A_168, %dma_wait3A_311] : memref<8192x1024xf32, #tpu.memory_space<hbm>> -> memref<16x1024xf32, #tpu.memory_space<hbm>>
    %dma_wait3A_313 = tpu.memref_slice %arg8[%dma_wait3A_306] : memref<7x!tpu.dma_semaphore, #tpu.memory_space<semaphore_mem>> -> memref<1x!tpu.dma_semaphore, #tpu.memory_space<semaphore_mem>>
    %dma_wait3A_314 = tpu.memref_squeeze %dma_wait3A_313 : memref<1x!tpu.dma_semaphore, #tpu.memory_space<semaphore_mem>> -> memref<!tpu.dma_semaphore, #tpu.memory_space<semaphore_mem>>
    %dma_wait3A_315 = arith.constant 0 : i32
    %dma_wait3A_316 = tpu.memref_slice %arg4[%add3A_168, %dma_wait3A_315] : memref<8192x1024xf32, #tpu.memory_space<hbm>> -> memref<16x1024xf32, #tpu.memory_space<hbm>>
    %dma_wait3A_317 = arith.constant 0 : i32
    %dma_wait3A_318 = arith.constant 0 : i32
    %dma_wait3A_319 = tpu.memref_slice %arg6[%dma_wait3A_305, %dma_wait3A_317, %dma_wait3A_318] : memref<7x16x1024xf32, #tpu.memory_space<vmem>> -> memref<1x16x1024xf32, #tpu.memory_space<vmem>>
    %dma_wait3A_320 = tpu.memref_squeeze %dma_wait3A_319 : memref<1x16x1024xf32, #tpu.memory_space<vmem>> -> memref<16x1024xf32, #tpu.memory_space<vmem>>
    tpu.wait_dma2 semaphore(%dma_wait3A_314 : memref<!tpu.dma_semaphore, #tpu.memory_space<semaphore_mem>>) src(%dma_wait3A_320 : memref<16x1024xf32, #tpu.memory_space<vmem>>) dst(%dma_wait3A_316 : memref<16x1024xf32, #tpu.memory_space<hbm>>)
    %dma_start3A_321 = arith.constant 2 : i32
    %dma_start3A_322 = arith.constant 2 : i32
    %dma_start3A_323 = arith.constant 0 : i32
    %dma_start3A_324 = arith.constant 0 : i32
    %dma_start3A_325 = tpu.memref_slice %arg6[%dma_start3A_321, %dma_start3A_323, %dma_start3A_324] : memref<7x16x1024xf32, #tpu.memory_space<vmem>> -> memref<1x16x1024xf32, #tpu.memory_space<vmem>>
    %dma_start3A_326 = tpu.memref_squeeze %dma_start3A_325 : memref<1x16x1024xf32, #tpu.memory_space<vmem>> -> memref<16x1024xf32, #tpu.memory_space<vmem>>
    %dma_start3A_327 = arith.constant 144 : i32
    %dma_start3A_328 = tpu.memref_slice %arg5[%dma_start3A_327] : memref<256xi32, #tpu.memory_space<vmem>> -> memref<16xi32, #tpu.memory_space<vmem>>
    %dma_start3A_329 = arith.constant 0 : i32
    %dma_start3A_330 = arith.constant 0 : i32
    %dma_start3A_331 = tpu.memref_slice %arg2[%dma_start3A_329, %dma_start3A_330] : memref<8192x1024xf32, #tpu.memory_space<hbm>> -> memref<8192x1024xf32, #tpu.memory_space<hbm>>
    %dma_start3A_332 = tpu.memref_slice %arg7[%dma_start3A_322] : memref<7x!tpu.dma_semaphore, #tpu.memory_space<semaphore_mem>> -> memref<1x!tpu.dma_semaphore, #tpu.memory_space<semaphore_mem>>
    %dma_start3A_333 = tpu.memref_squeeze %dma_start3A_332 : memref<1x!tpu.dma_semaphore, #tpu.memory_space<semaphore_mem>> -> memref<!tpu.dma_semaphore, #tpu.memory_space<semaphore_mem>>
    tpu.enqueue_indirect_dma source(%dma_start3A_331 : memref<8192x1024xf32, #tpu.memory_space<hbm>>) target(%dma_start3A_326 : memref<16x1024xf32, #tpu.memory_space<vmem>>) offsets(%dma_start3A_328 : memref<16xi32, #tpu.memory_space<vmem>>) semaphore(%dma_start3A_333 : memref<!tpu.dma_semaphore, #tpu.memory_space<semaphore_mem>>)
    %dma_wait3A_334 = arith.constant 5 : i32
    %dma_wait3A_335 = arith.constant 5 : i32
    %dma_wait3A_336 = arith.constant 0 : i32
    %dma_wait3A_337 = arith.constant 0 : i32
    %dma_wait3A_338 = tpu.memref_slice %arg6[%dma_wait3A_334, %dma_wait3A_336, %dma_wait3A_337] : memref<7x16x1024xf32, #tpu.memory_space<vmem>> -> memref<1x16x1024xf32, #tpu.memory_space<vmem>>
    %dma_wait3A_339 = tpu.memref_squeeze %dma_wait3A_338 : memref<1x16x1024xf32, #tpu.memory_space<vmem>> -> memref<16x1024xf32, #tpu.memory_space<vmem>>
    %dma_wait3A_340 = arith.constant 80 : i32
    %dma_wait3A_341 = tpu.memref_slice %arg5[%dma_wait3A_340] : memref<256xi32, #tpu.memory_space<vmem>> -> memref<16xi32, #tpu.memory_space<vmem>>
    %dma_wait3A_342 = arith.constant 0 : i32
    %dma_wait3A_343 = arith.constant 0 : i32
    %dma_wait3A_344 = tpu.memref_slice %arg2[%dma_wait3A_342, %dma_wait3A_343] : memref<8192x1024xf32, #tpu.memory_space<hbm>> -> memref<8192x1024xf32, #tpu.memory_space<hbm>>
    %dma_wait3A_345 = tpu.memref_slice %arg7[%dma_wait3A_335] : memref<7x!tpu.dma_semaphore, #tpu.memory_space<semaphore_mem>> -> memref<1x!tpu.dma_semaphore, #tpu.memory_space<semaphore_mem>>
    %dma_wait3A_346 = tpu.memref_squeeze %dma_wait3A_345 : memref<1x!tpu.dma_semaphore, #tpu.memory_space<semaphore_mem>> -> memref<!tpu.dma_semaphore, #tpu.memory_space<semaphore_mem>>
    tpu.wait_indirect_dma semaphore(%dma_wait3A_346 : memref<!tpu.dma_semaphore, #tpu.memory_space<semaphore_mem>>) src(%dma_wait3A_344 : memref<8192x1024xf32, #tpu.memory_space<hbm>>) dst(%dma_wait3A_339 : memref<16x1024xf32, #tpu.memory_space<vmem>>)
    %add3A_347 = arith.constant 80 : i32
    %add3A_348 = arith.addi %mul3A_2, %add3A_347 : i32
    %dma_start3A_349 = arith.constant 5 : i32
    %dma_start3A_350 = arith.constant 5 : i32
    %dma_start3A_351 = arith.constant 0 : i32
    %dma_start3A_352 = arith.constant 0 : i32
    %dma_start3A_353 = tpu.memref_slice %arg6[%dma_start3A_349, %dma_start3A_351, %dma_start3A_352] : memref<7x16x1024xf32, #tpu.memory_space<vmem>> -> memref<1x16x1024xf32, #tpu.memory_space<vmem>>
    %dma_start3A_354 = tpu.memref_squeeze %dma_start3A_353 : memref<1x16x1024xf32, #tpu.memory_space<vmem>> -> memref<16x1024xf32, #tpu.memory_space<vmem>>
    %dma_start3A_355 = arith.constant 0 : i32
    %dma_start3A_356 = tpu.memref_slice %arg4[%add3A_348, %dma_start3A_355] : memref<8192x1024xf32, #tpu.memory_space<hbm>> -> memref<16x1024xf32, #tpu.memory_space<hbm>>
    %dma_start3A_357 = tpu.memref_slice %arg8[%dma_start3A_350] : memref<7x!tpu.dma_semaphore, #tpu.memory_space<semaphore_mem>> -> memref<1x!tpu.dma_semaphore, #tpu.memory_space<semaphore_mem>>
    %dma_start3A_358 = tpu.memref_squeeze %dma_start3A_357 : memref<1x!tpu.dma_semaphore, #tpu.memory_space<semaphore_mem>> -> memref<!tpu.dma_semaphore, #tpu.memory_space<semaphore_mem>>
    %dma_start3A_359 = arith.constant 0 : i32
    %dma_start3A_360 = tpu.memref_slice %arg4[%add3A_348, %dma_start3A_359] : memref<8192x1024xf32, #tpu.memory_space<hbm>> -> memref<16x1024xf32, #tpu.memory_space<hbm>>
    %dma_start3A_361 = arith.constant 0 : i32
    %dma_start3A_362 = arith.constant 0 : i32
    %dma_start3A_363 = tpu.memref_slice %arg6[%dma_start3A_349, %dma_start3A_361, %dma_start3A_362] : memref<7x16x1024xf32, #tpu.memory_space<vmem>> -> memref<1x16x1024xf32, #tpu.memory_space<vmem>>
    %dma_start3A_364 = tpu.memref_squeeze %dma_start3A_363 : memref<1x16x1024xf32, #tpu.memory_space<vmem>> -> memref<16x1024xf32, #tpu.memory_space<vmem>>
    tpu.enqueue_dma source(%dma_start3A_364 : memref<16x1024xf32, #tpu.memory_space<vmem>>) target(%dma_start3A_360 : memref<16x1024xf32, #tpu.memory_space<hbm>>) target_semaphore(%dma_start3A_358 : memref<!tpu.dma_semaphore, #tpu.memory_space<semaphore_mem>>)
    %dma_wait3A_365 = arith.constant 3 : i32
    %dma_wait3A_366 = arith.constant 3 : i32
    %dma_wait3A_367 = arith.constant 0 : i32
    %dma_wait3A_368 = arith.constant 0 : i32
    %dma_wait3A_369 = tpu.memref_slice %arg6[%dma_wait3A_365, %dma_wait3A_367, %dma_wait3A_368] : memref<7x16x1024xf32, #tpu.memory_space<vmem>> -> memref<1x16x1024xf32, #tpu.memory_space<vmem>>
    %dma_wait3A_370 = tpu.memref_squeeze %dma_wait3A_369 : memref<1x16x1024xf32, #tpu.memory_space<vmem>> -> memref<16x1024xf32, #tpu.memory_space<vmem>>
    %dma_wait3A_371 = arith.constant 0 : i32
    %dma_wait3A_372 = tpu.memref_slice %arg4[%add3A_228, %dma_wait3A_371] : memref<8192x1024xf32, #tpu.memory_space<hbm>> -> memref<16x1024xf32, #tpu.memory_space<hbm>>
    %dma_wait3A_373 = tpu.memref_slice %arg8[%dma_wait3A_366] : memref<7x!tpu.dma_semaphore, #tpu.memory_space<semaphore_mem>> -> memref<1x!tpu.dma_semaphore, #tpu.memory_space<semaphore_mem>>
    %dma_wait3A_374 = tpu.memref_squeeze %dma_wait3A_373 : memref<1x!tpu.dma_semaphore, #tpu.memory_space<semaphore_mem>> -> memref<!tpu.dma_semaphore, #tpu.memory_space<semaphore_mem>>
    %dma_wait3A_375 = arith.constant 0 : i32
    %dma_wait3A_376 = tpu.memref_slice %arg4[%add3A_228, %dma_wait3A_375] : memref<8192x1024xf32, #tpu.memory_space<hbm>> -> memref<16x1024xf32, #tpu.memory_space<hbm>>
    %dma_wait3A_377 = arith.constant 0 : i32
    %dma_wait3A_378 = arith.constant 0 : i32
    %dma_wait3A_379 = tpu.memref_slice %arg6[%dma_wait3A_365, %dma_wait3A_377, %dma_wait3A_378] : memref<7x16x1024xf32, #tpu.memory_space<vmem>> -> memref<1x16x1024xf32, #tpu.memory_space<vmem>>
    %dma_wait3A_380 = tpu.memref_squeeze %dma_wait3A_379 : memref<1x16x1024xf32, #tpu.memory_space<vmem>> -> memref<16x1024xf32, #tpu.memory_space<vmem>>
    tpu.wait_dma2 semaphore(%dma_wait3A_374 : memref<!tpu.dma_semaphore, #tpu.memory_space<semaphore_mem>>) src(%dma_wait3A_380 : memref<16x1024xf32, #tpu.memory_space<vmem>>) dst(%dma_wait3A_376 : memref<16x1024xf32, #tpu.memory_space<hbm>>)
    %dma_start3A_381 = arith.constant 3 : i32
    %dma_start3A_382 = arith.constant 3 : i32
    %dma_start3A_383 = arith.constant 0 : i32
    %dma_start3A_384 = arith.constant 0 : i32
    %dma_start3A_385 = tpu.memref_slice %arg6[%dma_start3A_381, %dma_start3A_383, %dma_start3A_384] : memref<7x16x1024xf32, #tpu.memory_space<vmem>> -> memref<1x16x1024xf32, #tpu.memory_space<vmem>>
    %dma_start3A_386 = tpu.memref_squeeze %dma_start3A_385 : memref<1x16x1024xf32, #tpu.memory_space<vmem>> -> memref<16x1024xf32, #tpu.memory_space<vmem>>
    %dma_start3A_387 = arith.constant 160 : i32
    %dma_start3A_388 = tpu.memref_slice %arg5[%dma_start3A_387] : memref<256xi32, #tpu.memory_space<vmem>> -> memref<16xi32, #tpu.memory_space<vmem>>
    %dma_start3A_389 = arith.constant 0 : i32
    %dma_start3A_390 = arith.constant 0 : i32
    %dma_start3A_391 = tpu.memref_slice %arg2[%dma_start3A_389, %dma_start3A_390] : memref<8192x1024xf32, #tpu.memory_space<hbm>> -> memref<8192x1024xf32, #tpu.memory_space<hbm>>
    %dma_start3A_392 = tpu.memref_slice %arg7[%dma_start3A_382] : memref<7x!tpu.dma_semaphore, #tpu.memory_space<semaphore_mem>> -> memref<1x!tpu.dma_semaphore, #tpu.memory_space<semaphore_mem>>
    %dma_start3A_393 = tpu.memref_squeeze %dma_start3A_392 : memref<1x!tpu.dma_semaphore, #tpu.memory_space<semaphore_mem>> -> memref<!tpu.dma_semaphore, #tpu.memory_space<semaphore_mem>>
    tpu.enqueue_indirect_dma source(%dma_start3A_391 : memref<8192x1024xf32, #tpu.memory_space<hbm>>) target(%dma_start3A_386 : memref<16x1024xf32, #tpu.memory_space<vmem>>) offsets(%dma_start3A_388 : memref<16xi32, #tpu.memory_space<vmem>>) semaphore(%dma_start3A_393 : memref<!tpu.dma_semaphore, #tpu.memory_space<semaphore_mem>>)
    %dma_wait3A_394 = arith.constant 6 : i32
    %dma_wait3A_395 = arith.constant 6 : i32
    %dma_wait3A_396 = arith.constant 0 : i32
    %dma_wait3A_397 = arith.constant 0 : i32
    %dma_wait3A_398 = tpu.memref_slice %arg6[%dma_wait3A_394, %dma_wait3A_396, %dma_wait3A_397] : memref<7x16x1024xf32, #tpu.memory_space<vmem>> -> memref<1x16x1024xf32, #tpu.memory_space<vmem>>
    %dma_wait3A_399 = tpu.memref_squeeze %dma_wait3A_398 : memref<1x16x1024xf32, #tpu.memory_space<vmem>> -> memref<16x1024xf32, #tpu.memory_space<vmem>>
    %dma_wait3A_400 = arith.constant 96 : i32
    %dma_wait3A_401 = tpu.memref_slice %arg5[%dma_wait3A_400] : memref<256xi32, #tpu.memory_space<vmem>> -> memref<16xi32, #tpu.memory_space<vmem>>
    %dma_wait3A_402 = arith.constant 0 : i32
    %dma_wait3A_403 = arith.constant 0 : i32
    %dma_wait3A_404 = tpu.memref_slice %arg2[%dma_wait3A_402, %dma_wait3A_403] : memref<8192x1024xf32, #tpu.memory_space<hbm>> -> memref<8192x1024xf32, #tpu.memory_space<hbm>>
    %dma_wait3A_405 = tpu.memref_slice %arg7[%dma_wait3A_395] : memref<7x!tpu.dma_semaphore, #tpu.memory_space<semaphore_mem>> -> memref<1x!tpu.dma_semaphore, #tpu.memory_space<semaphore_mem>>
    %dma_wait3A_406 = tpu.memref_squeeze %dma_wait3A_405 : memref<1x!tpu.dma_semaphore, #tpu.memory_space<semaphore_mem>> -> memref<!tpu.dma_semaphore, #tpu.memory_space<semaphore_mem>>
    tpu.wait_indirect_dma semaphore(%dma_wait3A_406 : memref<!tpu.dma_semaphore, #tpu.memory_space<semaphore_mem>>) src(%dma_wait3A_404 : memref<8192x1024xf32, #tpu.memory_space<hbm>>) dst(%dma_wait3A_399 : memref<16x1024xf32, #tpu.memory_space<vmem>>)
    %add3A_407 = arith.constant 96 : i32
    %add3A_408 = arith.addi %mul3A_2, %add3A_407 : i32
    %dma_start3A_409 = arith.constant 6 : i32
    %dma_start3A_410 = arith.constant 6 : i32
    %dma_start3A_411 = arith.constant 0 : i32
    %dma_start3A_412 = arith.constant 0 : i32
    %dma_start3A_413 = tpu.memref_slice %arg6[%dma_start3A_409, %dma_start3A_411, %dma_start3A_412] : memref<7x16x1024xf32, #tpu.memory_space<vmem>> -> memref<1x16x1024xf32, #tpu.memory_space<vmem>>
    %dma_start3A_414 = tpu.memref_squeeze %dma_start3A_413 : memref<1x16x1024xf32, #tpu.memory_space<vmem>> -> memref<16x1024xf32, #tpu.memory_space<vmem>>
    %dma_start3A_415 = arith.constant 0 : i32
    %dma_start3A_416 = tpu.memref_slice %arg4[%add3A_408, %dma_start3A_415] : memref<8192x1024xf32, #tpu.memory_space<hbm>> -> memref<16x1024xf32, #tpu.memory_space<hbm>>
    %dma_start3A_417 = tpu.memref_slice %arg8[%dma_start3A_410] : memref<7x!tpu.dma_semaphore, #tpu.memory_space<semaphore_mem>> -> memref<1x!tpu.dma_semaphore, #tpu.memory_space<semaphore_mem>>
    %dma_start3A_418 = tpu.memref_squeeze %dma_start3A_417 : memref<1x!tpu.dma_semaphore, #tpu.memory_space<semaphore_mem>> -> memref<!tpu.dma_semaphore, #tpu.memory_space<semaphore_mem>>
    %dma_start3A_419 = arith.constant 0 : i32
    %dma_start3A_420 = tpu.memref_slice %arg4[%add3A_408, %dma_start3A_419] : memref<8192x1024xf32, #tpu.memory_space<hbm>> -> memref<16x1024xf32, #tpu.memory_space<hbm>>
    %dma_start3A_421 = arith.constant 0 : i32
    %dma_start3A_422 = arith.constant 0 : i32
    %dma_start3A_423 = tpu.memref_slice %arg6[%dma_start3A_409, %dma_start3A_421, %dma_start3A_422] : memref<7x16x1024xf32, #tpu.memory_space<vmem>> -> memref<1x16x1024xf32, #tpu.memory_space<vmem>>
    %dma_start3A_424 = tpu.memref_squeeze %dma_start3A_423 : memref<1x16x1024xf32, #tpu.memory_space<vmem>> -> memref<16x1024xf32, #tpu.memory_space<vmem>>
    tpu.enqueue_dma source(%dma_start3A_424 : memref<16x1024xf32, #tpu.memory_space<vmem>>) target(%dma_start3A_420 : memref<16x1024xf32, #tpu.memory_space<hbm>>) target_semaphore(%dma_start3A_418 : memref<!tpu.dma_semaphore, #tpu.memory_space<semaphore_mem>>)
    %dma_wait3A_425 = arith.constant 4 : i32
    %dma_wait3A_426 = arith.constant 4 : i32
    %dma_wait3A_427 = arith.constant 0 : i32
    %dma_wait3A_428 = arith.constant 0 : i32
    %dma_wait3A_429 = tpu.memref_slice %arg6[%dma_wait3A_425, %dma_wait3A_427, %dma_wait3A_428] : memref<7x16x1024xf32, #tpu.memory_space<vmem>> -> memref<1x16x1024xf32, #tpu.memory_space<vmem>>
    %dma_wait3A_430 = tpu.memref_squeeze %dma_wait3A_429 : memref<1x16x1024xf32, #tpu.memory_space<vmem>> -> memref<16x1024xf32, #tpu.memory_space<vmem>>
    %dma_wait3A_431 = arith.constant 0 : i32
    %dma_wait3A_432 = tpu.memref_slice %arg4[%add3A_288, %dma_wait3A_431] : memref<8192x1024xf32, #tpu.memory_space<hbm>> -> memref<16x1024xf32, #tpu.memory_space<hbm>>
    %dma_wait3A_433 = tpu.memref_slice %arg8[%dma_wait3A_426] : memref<7x!tpu.dma_semaphore, #tpu.memory_space<semaphore_mem>> -> memref<1x!tpu.dma_semaphore, #tpu.memory_space<semaphore_mem>>
    %dma_wait3A_434 = tpu.memref_squeeze %dma_wait3A_433 : memref<1x!tpu.dma_semaphore, #tpu.memory_space<semaphore_mem>> -> memref<!tpu.dma_semaphore, #tpu.memory_space<semaphore_mem>>
    %dma_wait3A_435 = arith.constant 0 : i32
    %dma_wait3A_436 = tpu.memref_slice %arg4[%add3A_288, %dma_wait3A_435] : memref<8192x1024xf32, #tpu.memory_space<hbm>> -> memref<16x1024xf32, #tpu.memory_space<hbm>>
    %dma_wait3A_437 = arith.constant 0 : i32
    %dma_wait3A_438 = arith.constant 0 : i32
    %dma_wait3A_439 = tpu.memref_slice %arg6[%dma_wait3A_425, %dma_wait3A_437, %dma_wait3A_438] : memref<7x16x1024xf32, #tpu.memory_space<vmem>> -> memref<1x16x1024xf32, #tpu.memory_space<vmem>>
    %dma_wait3A_440 = tpu.memref_squeeze %dma_wait3A_439 : memref<1x16x1024xf32, #tpu.memory_space<vmem>> -> memref<16x1024xf32, #tpu.memory_space<vmem>>
    tpu.wait_dma2 semaphore(%dma_wait3A_434 : memref<!tpu.dma_semaphore, #tpu.memory_space<semaphore_mem>>) src(%dma_wait3A_440 : memref<16x1024xf32, #tpu.memory_space<vmem>>) dst(%dma_wait3A_436 : memref<16x1024xf32, #tpu.memory_space<hbm>>)
    %dma_start3A_441 = arith.constant 4 : i32
    %dma_start3A_442 = arith.constant 4 : i32
    %dma_start3A_443 = arith.constant 0 : i32
    %dma_start3A_444 = arith.constant 0 : i32
    %dma_start3A_445 = tpu.memref_slice %arg6[%dma_start3A_441, %dma_start3A_443, %dma_start3A_444] : memref<7x16x1024xf32, #tpu.memory_space<vmem>> -> memref<1x16x1024xf32, #tpu.memory_space<vmem>>
    %dma_start3A_446 = tpu.memref_squeeze %dma_start3A_445 : memref<1x16x1024xf32, #tpu.memory_space<vmem>> -> memref<16x1024xf32, #tpu.memory_space<vmem>>
    %dma_start3A_447 = arith.constant 176 : i32
    %dma_start3A_448 = tpu.memref_slice %arg5[%dma_start3A_447] : memref<256xi32, #tpu.memory_space<vmem>> -> memref<16xi32, #tpu.memory_space<vmem>>
    %dma_start3A_449 = arith.constant 0 : i32
    %dma_start3A_450 = arith.constant 0 : i32
    %dma_start3A_451 = tpu.memref_slice %arg2[%dma_start3A_449, %dma_start3A_450] : memref<8192x1024xf32, #tpu.memory_space<hbm>> -> memref<8192x1024xf32, #tpu.memory_space<hbm>>
    %dma_start3A_452 = tpu.memref_slice %arg7[%dma_start3A_442] : memref<7x!tpu.dma_semaphore, #tpu.memory_space<semaphore_mem>> -> memref<1x!tpu.dma_semaphore, #tpu.memory_space<semaphore_mem>>
    %dma_start3A_453 = tpu.memref_squeeze %dma_start3A_452 : memref<1x!tpu.dma_semaphore, #tpu.memory_space<semaphore_mem>> -> memref<!tpu.dma_semaphore, #tpu.memory_space<semaphore_mem>>
    tpu.enqueue_indirect_dma source(%dma_start3A_451 : memref<8192x1024xf32, #tpu.memory_space<hbm>>) target(%dma_start3A_446 : memref<16x1024xf32, #tpu.memory_space<vmem>>) offsets(%dma_start3A_448 : memref<16xi32, #tpu.memory_space<vmem>>) semaphore(%dma_start3A_453 : memref<!tpu.dma_semaphore, #tpu.memory_space<semaphore_mem>>)
    %dma_wait3A_454 = arith.constant 0 : i32
    %dma_wait3A_455 = arith.constant 0 : i32
    %dma_wait3A_456 = arith.constant 0 : i32
    %dma_wait3A_457 = arith.constant 0 : i32
    %dma_wait3A_458 = tpu.memref_slice %arg6[%dma_wait3A_454, %dma_wait3A_456, %dma_wait3A_457] : memref<7x16x1024xf32, #tpu.memory_space<vmem>> -> memref<1x16x1024xf32, #tpu.memory_space<vmem>>
    %dma_wait3A_459 = tpu.memref_squeeze %dma_wait3A_458 : memref<1x16x1024xf32, #tpu.memory_space<vmem>> -> memref<16x1024xf32, #tpu.memory_space<vmem>>
    %dma_wait3A_460 = arith.constant 112 : i32
    %dma_wait3A_461 = tpu.memref_slice %arg5[%dma_wait3A_460] : memref<256xi32, #tpu.memory_space<vmem>> -> memref<16xi32, #tpu.memory_space<vmem>>
    %dma_wait3A_462 = arith.constant 0 : i32
    %dma_wait3A_463 = arith.constant 0 : i32
    %dma_wait3A_464 = tpu.memref_slice %arg2[%dma_wait3A_462, %dma_wait3A_463] : memref<8192x1024xf32, #tpu.memory_space<hbm>> -> memref<8192x1024xf32, #tpu.memory_space<hbm>>
    %dma_wait3A_465 = tpu.memref_slice %arg7[%dma_wait3A_455] : memref<7x!tpu.dma_semaphore, #tpu.memory_space<semaphore_mem>> -> memref<1x!tpu.dma_semaphore, #tpu.memory_space<semaphore_mem>>
    %dma_wait3A_466 = tpu.memref_squeeze %dma_wait3A_465 : memref<1x!tpu.dma_semaphore, #tpu.memory_space<semaphore_mem>> -> memref<!tpu.dma_semaphore, #tpu.memory_space<semaphore_mem>>
    tpu.wait_indirect_dma semaphore(%dma_wait3A_466 : memref<!tpu.dma_semaphore, #tpu.memory_space<semaphore_mem>>) src(%dma_wait3A_464 : memref<8192x1024xf32, #tpu.memory_space<hbm>>) dst(%dma_wait3A_459 : memref<16x1024xf32, #tpu.memory_space<vmem>>)
    %add3A_467 = arith.constant 112 : i32
    %add3A_468 = arith.addi %mul3A_2, %add3A_467 : i32
    %dma_start3A_469 = arith.constant 0 : i32
    %dma_start3A_470 = arith.constant 0 : i32
    %dma_start3A_471 = arith.constant 0 : i32
    %dma_start3A_472 = arith.constant 0 : i32
    %dma_start3A_473 = tpu.memref_slice %arg6[%dma_start3A_469, %dma_start3A_471, %dma_start3A_472] : memref<7x16x1024xf32, #tpu.memory_space<vmem>> -> memref<1x16x1024xf32, #tpu.memory_space<vmem>>
    %dma_start3A_474 = tpu.memref_squeeze %dma_start3A_473 : memref<1x16x1024xf32, #tpu.memory_space<vmem>> -> memref<16x1024xf32, #tpu.memory_space<vmem>>
    %dma_start3A_475 = arith.constant 0 : i32
    %dma_start3A_476 = tpu.memref_slice %arg4[%add3A_468, %dma_start3A_475] : memref<8192x1024xf32, #tpu.memory_space<hbm>> -> memref<16x1024xf32, #tpu.memory_space<hbm>>
    %dma_start3A_477 = tpu.memref_slice %arg8[%dma_start3A_470] : memref<7x!tpu.dma_semaphore, #tpu.memory_space<semaphore_mem>> -> memref<1x!tpu.dma_semaphore, #tpu.memory_space<semaphore_mem>>
    %dma_start3A_478 = tpu.memref_squeeze %dma_start3A_477 : memref<1x!tpu.dma_semaphore, #tpu.memory_space<semaphore_mem>> -> memref<!tpu.dma_semaphore, #tpu.memory_space<semaphore_mem>>
    %dma_start3A_479 = arith.constant 0 : i32
    %dma_start3A_480 = tpu.memref_slice %arg4[%add3A_468, %dma_start3A_479] : memref<8192x1024xf32, #tpu.memory_space<hbm>> -> memref<16x1024xf32, #tpu.memory_space<hbm>>
    %dma_start3A_481 = arith.constant 0 : i32
    %dma_start3A_482 = arith.constant 0 : i32
    %dma_start3A_483 = tpu.memref_slice %arg6[%dma_start3A_469, %dma_start3A_481, %dma_start3A_482] : memref<7x16x1024xf32, #tpu.memory_space<vmem>> -> memref<1x16x1024xf32, #tpu.memory_space<vmem>>
    %dma_start3A_484 = tpu.memref_squeeze %dma_start3A_483 : memref<1x16x1024xf32, #tpu.memory_space<vmem>> -> memref<16x1024xf32, #tpu.memory_space<vmem>>
    tpu.enqueue_dma source(%dma_start3A_484 : memref<16x1024xf32, #tpu.memory_space<vmem>>) target(%dma_start3A_480 : memref<16x1024xf32, #tpu.memory_space<hbm>>) target_semaphore(%dma_start3A_478 : memref<!tpu.dma_semaphore, #tpu.memory_space<semaphore_mem>>)
    %dma_wait3A_485 = arith.constant 5 : i32
    %dma_wait3A_486 = arith.constant 5 : i32
    %dma_wait3A_487 = arith.constant 0 : i32
    %dma_wait3A_488 = arith.constant 0 : i32
    %dma_wait3A_489 = tpu.memref_slice %arg6[%dma_wait3A_485, %dma_wait3A_487, %dma_wait3A_488] : memref<7x16x1024xf32, #tpu.memory_space<vmem>> -> memref<1x16x1024xf32, #tpu.memory_space<vmem>>
    %dma_wait3A_490 = tpu.memref_squeeze %dma_wait3A_489 : memref<1x16x1024xf32, #tpu.memory_space<vmem>> -> memref<16x1024xf32, #tpu.memory_space<vmem>>
    %dma_wait3A_491 = arith.constant 0 : i32
    %dma_wait3A_492 = tpu.memref_slice %arg4[%add3A_348, %dma_wait3A_491] : memref<8192x1024xf32, #tpu.memory_space<hbm>> -> memref<16x1024xf32, #tpu.memory_space<hbm>>
    %dma_wait3A_493 = tpu.memref_slice %arg8[%dma_wait3A_486] : memref<7x!tpu.dma_semaphore, #tpu.memory_space<semaphore_mem>> -> memref<1x!tpu.dma_semaphore, #tpu.memory_space<semaphore_mem>>
    %dma_wait3A_494 = tpu.memref_squeeze %dma_wait3A_493 : memref<1x!tpu.dma_semaphore, #tpu.memory_space<semaphore_mem>> -> memref<!tpu.dma_semaphore, #tpu.memory_space<semaphore_mem>>
    %dma_wait3A_495 = arith.constant 0 : i32
    %dma_wait3A_496 = tpu.memref_slice %arg4[%add3A_348, %dma_wait3A_495] : memref<8192x1024xf32, #tpu.memory_space<hbm>> -> memref<16x1024xf32, #tpu.memory_space<hbm>>
    %dma_wait3A_497 = arith.constant 0 : i32
    %dma_wait3A_498 = arith.constant 0 : i32
    %dma_wait3A_499 = tpu.memref_slice %arg6[%dma_wait3A_485, %dma_wait3A_497, %dma_wait3A_498] : memref<7x16x1024xf32, #tpu.memory_space<vmem>> -> memref<1x16x1024xf32, #tpu.memory_space<vmem>>
    %dma_wait3A_500 = tpu.memref_squeeze %dma_wait3A_499 : memref<1x16x1024xf32, #tpu.memory_space<vmem>> -> memref<16x1024xf32, #tpu.memory_space<vmem>>
    tpu.wait_dma2 semaphore(%dma_wait3A_494 : memref<!tpu.dma_semaphore, #tpu.memory_space<semaphore_mem>>) src(%dma_wait3A_500 : memref<16x1024xf32, #tpu.memory_space<vmem>>) dst(%dma_wait3A_496 : memref<16x1024xf32, #tpu.memory_space<hbm>>)
    %dma_start3A_501 = arith.constant 5 : i32
    %dma_start3A_502 = arith.constant 5 : i32
    %dma_start3A_503 = arith.constant 0 : i32
    %dma_start3A_504 = arith.constant 0 : i32
    %dma_start3A_505 = tpu.memref_slice %arg6[%dma_start3A_501, %dma_start3A_503, %dma_start3A_504] : memref<7x16x1024xf32, #tpu.memory_space<vmem>> -> memref<1x16x1024xf32, #tpu.memory_space<vmem>>
    %dma_start3A_506 = tpu.memref_squeeze %dma_start3A_505 : memref<1x16x1024xf32, #tpu.memory_space<vmem>> -> memref<16x1024xf32, #tpu.memory_space<vmem>>
    %dma_start3A_507 = arith.constant 192 : i32
    %dma_start3A_508 = tpu.memref_slice %arg5[%dma_start3A_507] : memref<256xi32, #tpu.memory_space<vmem>> -> memref<16xi32, #tpu.memory_space<vmem>>
    %dma_start3A_509 = arith.constant 0 : i32
    %dma_start3A_510 = arith.constant 0 : i32
    %dma_start3A_511 = tpu.memref_slice %arg2[%dma_start3A_509, %dma_start3A_510] : memref<8192x1024xf32, #tpu.memory_space<hbm>> -> memref<8192x1024xf32, #tpu.memory_space<hbm>>
    %dma_start3A_512 = tpu.memref_slice %arg7[%dma_start3A_502] : memref<7x!tpu.dma_semaphore, #tpu.memory_space<semaphore_mem>> -> memref<1x!tpu.dma_semaphore, #tpu.memory_space<semaphore_mem>>
    %dma_start3A_513 = tpu.memref_squeeze %dma_start3A_512 : memref<1x!tpu.dma_semaphore, #tpu.memory_space<semaphore_mem>> -> memref<!tpu.dma_semaphore, #tpu.memory_space<semaphore_mem>>
    tpu.enqueue_indirect_dma source(%dma_start3A_511 : memref<8192x1024xf32, #tpu.memory_space<hbm>>) target(%dma_start3A_506 : memref<16x1024xf32, #tpu.memory_space<vmem>>) offsets(%dma_start3A_508 : memref<16xi32, #tpu.memory_space<vmem>>) semaphore(%dma_start3A_513 : memref<!tpu.dma_semaphore, #tpu.memory_space<semaphore_mem>>)
    %dma_wait3A_514 = arith.constant 1 : i32
    %dma_wait3A_515 = arith.constant 1 : i32
    %dma_wait3A_516 = arith.constant 0 : i32
    %dma_wait3A_517 = arith.constant 0 : i32
    %dma_wait3A_518 = tpu.memref_slice %arg6[%dma_wait3A_514, %dma_wait3A_516, %dma_wait3A_517] : memref<7x16x1024xf32, #tpu.memory_space<vmem>> -> memref<1x16x1024xf32, #tpu.memory_space<vmem>>
    %dma_wait3A_519 = tpu.memref_squeeze %dma_wait3A_518 : memref<1x16x1024xf32, #tpu.memory_space<vmem>> -> memref<16x1024xf32, #tpu.memory_space<vmem>>
    %dma_wait3A_520 = arith.constant 128 : i32
    %dma_wait3A_521 = tpu.memref_slice %arg5[%dma_wait3A_520] : memref<256xi32, #tpu.memory_space<vmem>> -> memref<16xi32, #tpu.memory_space<vmem>>
    %dma_wait3A_522 = arith.constant 0 : i32
    %dma_wait3A_523 = arith.constant 0 : i32
    %dma_wait3A_524 = tpu.memref_slice %arg2[%dma_wait3A_522, %dma_wait3A_523] : memref<8192x1024xf32, #tpu.memory_space<hbm>> -> memref<8192x1024xf32, #tpu.memory_space<hbm>>
    %dma_wait3A_525 = tpu.memref_slice %arg7[%dma_wait3A_515] : memref<7x!tpu.dma_semaphore, #tpu.memory_space<semaphore_mem>> -> memref<1x!tpu.dma_semaphore, #tpu.memory_space<semaphore_mem>>
    %dma_wait3A_526 = tpu.memref_squeeze %dma_wait3A_525 : memref<1x!tpu.dma_semaphore, #tpu.memory_space<semaphore_mem>> -> memref<!tpu.dma_semaphore, #tpu.memory_space<semaphore_mem>>
    tpu.wait_indirect_dma semaphore(%dma_wait3A_526 : memref<!tpu.dma_semaphore, #tpu.memory_space<semaphore_mem>>) src(%dma_wait3A_524 : memref<8192x1024xf32, #tpu.memory_space<hbm>>) dst(%dma_wait3A_519 : memref<16x1024xf32, #tpu.memory_space<vmem>>)
    %add3A_527 = arith.constant 128 : i32
    %add3A_528 = arith.addi %mul3A_2, %add3A_527 : i32
    %dma_start3A_529 = arith.constant 1 : i32
    %dma_start3A_530 = arith.constant 1 : i32
    %dma_start3A_531 = arith.constant 0 : i32
    %dma_start3A_532 = arith.constant 0 : i32
    %dma_start3A_533 = tpu.memref_slice %arg6[%dma_start3A_529, %dma_start3A_531, %dma_start3A_532] : memref<7x16x1024xf32, #tpu.memory_space<vmem>> -> memref<1x16x1024xf32, #tpu.memory_space<vmem>>
    %dma_start3A_534 = tpu.memref_squeeze %dma_start3A_533 : memref<1x16x1024xf32, #tpu.memory_space<vmem>> -> memref<16x1024xf32, #tpu.memory_space<vmem>>
    %dma_start3A_535 = arith.constant 0 : i32
    %dma_start3A_536 = tpu.memref_slice %arg4[%add3A_528, %dma_start3A_535] : memref<8192x1024xf32, #tpu.memory_space<hbm>> -> memref<16x1024xf32, #tpu.memory_space<hbm>>
    %dma_start3A_537 = tpu.memref_slice %arg8[%dma_start3A_530] : memref<7x!tpu.dma_semaphore, #tpu.memory_space<semaphore_mem>> -> memref<1x!tpu.dma_semaphore, #tpu.memory_space<semaphore_mem>>
    %dma_start3A_538 = tpu.memref_squeeze %dma_start3A_537 : memref<1x!tpu.dma_semaphore, #tpu.memory_space<semaphore_mem>> -> memref<!tpu.dma_semaphore, #tpu.memory_space<semaphore_mem>>
    %dma_start3A_539 = arith.constant 0 : i32
    %dma_start3A_540 = tpu.memref_slice %arg4[%add3A_528, %dma_start3A_539] : memref<8192x1024xf32, #tpu.memory_space<hbm>> -> memref<16x1024xf32, #tpu.memory_space<hbm>>
    %dma_start3A_541 = arith.constant 0 : i32
    %dma_start3A_542 = arith.constant 0 : i32
    %dma_start3A_543 = tpu.memref_slice %arg6[%dma_start3A_529, %dma_start3A_541, %dma_start3A_542] : memref<7x16x1024xf32, #tpu.memory_space<vmem>> -> memref<1x16x1024xf32, #tpu.memory_space<vmem>>
    %dma_start3A_544 = tpu.memref_squeeze %dma_start3A_543 : memref<1x16x1024xf32, #tpu.memory_space<vmem>> -> memref<16x1024xf32, #tpu.memory_space<vmem>>
    tpu.enqueue_dma source(%dma_start3A_544 : memref<16x1024xf32, #tpu.memory_space<vmem>>) target(%dma_start3A_540 : memref<16x1024xf32, #tpu.memory_space<hbm>>) target_semaphore(%dma_start3A_538 : memref<!tpu.dma_semaphore, #tpu.memory_space<semaphore_mem>>)
    %dma_wait3A_545 = arith.constant 6 : i32
    %dma_wait3A_546 = arith.constant 6 : i32
    %dma_wait3A_547 = arith.constant 0 : i32
    %dma_wait3A_548 = arith.constant 0 : i32
    %dma_wait3A_549 = tpu.memref_slice %arg6[%dma_wait3A_545, %dma_wait3A_547, %dma_wait3A_548] : memref<7x16x1024xf32, #tpu.memory_space<vmem>> -> memref<1x16x1024xf32, #tpu.memory_space<vmem>>
    %dma_wait3A_550 = tpu.memref_squeeze %dma_wait3A_549 : memref<1x16x1024xf32, #tpu.memory_space<vmem>> -> memref<16x1024xf32, #tpu.memory_space<vmem>>
    %dma_wait3A_551 = arith.constant 0 : i32
    %dma_wait3A_552 = tpu.memref_slice %arg4[%add3A_408, %dma_wait3A_551] : memref<8192x1024xf32, #tpu.memory_space<hbm>> -> memref<16x1024xf32, #tpu.memory_space<hbm>>
    %dma_wait3A_553 = tpu.memref_slice %arg8[%dma_wait3A_546] : memref<7x!tpu.dma_semaphore, #tpu.memory_space<semaphore_mem>> -> memref<1x!tpu.dma_semaphore, #tpu.memory_space<semaphore_mem>>
    %dma_wait3A_554 = tpu.memref_squeeze %dma_wait3A_553 : memref<1x!tpu.dma_semaphore, #tpu.memory_space<semaphore_mem>> -> memref<!tpu.dma_semaphore, #tpu.memory_space<semaphore_mem>>
    %dma_wait3A_555 = arith.constant 0 : i32
    %dma_wait3A_556 = tpu.memref_slice %arg4[%add3A_408, %dma_wait3A_555] : memref<8192x1024xf32, #tpu.memory_space<hbm>> -> memref<16x1024xf32, #tpu.memory_space<hbm>>
    %dma_wait3A_557 = arith.constant 0 : i32
    %dma_wait3A_558 = arith.constant 0 : i32
    %dma_wait3A_559 = tpu.memref_slice %arg6[%dma_wait3A_545, %dma_wait3A_557, %dma_wait3A_558] : memref<7x16x1024xf32, #tpu.memory_space<vmem>> -> memref<1x16x1024xf32, #tpu.memory_space<vmem>>
    %dma_wait3A_560 = tpu.memref_squeeze %dma_wait3A_559 : memref<1x16x1024xf32, #tpu.memory_space<vmem>> -> memref<16x1024xf32, #tpu.memory_space<vmem>>
    tpu.wait_dma2 semaphore(%dma_wait3A_554 : memref<!tpu.dma_semaphore, #tpu.memory_space<semaphore_mem>>) src(%dma_wait3A_560 : memref<16x1024xf32, #tpu.memory_space<vmem>>) dst(%dma_wait3A_556 : memref<16x1024xf32, #tpu.memory_space<hbm>>)
    %dma_start3A_561 = arith.constant 6 : i32
    %dma_start3A_562 = arith.constant 6 : i32
    %dma_start3A_563 = arith.constant 0 : i32
    %dma_start3A_564 = arith.constant 0 : i32
    %dma_start3A_565 = tpu.memref_slice %arg6[%dma_start3A_561, %dma_start3A_563, %dma_start3A_564] : memref<7x16x1024xf32, #tpu.memory_space<vmem>> -> memref<1x16x1024xf32, #tpu.memory_space<vmem>>
    %dma_start3A_566 = tpu.memref_squeeze %dma_start3A_565 : memref<1x16x1024xf32, #tpu.memory_space<vmem>> -> memref<16x1024xf32, #tpu.memory_space<vmem>>
    %dma_start3A_567 = arith.constant 208 : i32
    %dma_start3A_568 = tpu.memref_slice %arg5[%dma_start3A_567] : memref<256xi32, #tpu.memory_space<vmem>> -> memref<16xi32, #tpu.memory_space<vmem>>
    %dma_start3A_569 = arith.constant 0 : i32
    %dma_start3A_570 = arith.constant 0 : i32
    %dma_start3A_571 = tpu.memref_slice %arg2[%dma_start3A_569, %dma_start3A_570] : memref<8192x1024xf32, #tpu.memory_space<hbm>> -> memref<8192x1024xf32, #tpu.memory_space<hbm>>
    %dma_start3A_572 = tpu.memref_slice %arg7[%dma_start3A_562] : memref<7x!tpu.dma_semaphore, #tpu.memory_space<semaphore_mem>> -> memref<1x!tpu.dma_semaphore, #tpu.memory_space<semaphore_mem>>
    %dma_start3A_573 = tpu.memref_squeeze %dma_start3A_572 : memref<1x!tpu.dma_semaphore, #tpu.memory_space<semaphore_mem>> -> memref<!tpu.dma_semaphore, #tpu.memory_space<semaphore_mem>>
    tpu.enqueue_indirect_dma source(%dma_start3A_571 : memref<8192x1024xf32, #tpu.memory_space<hbm>>) target(%dma_start3A_566 : memref<16x1024xf32, #tpu.memory_space<vmem>>) offsets(%dma_start3A_568 : memref<16xi32, #tpu.memory_space<vmem>>) semaphore(%dma_start3A_573 : memref<!tpu.dma_semaphore, #tpu.memory_space<semaphore_mem>>)
    %dma_wait3A_574 = arith.constant 2 : i32
    %dma_wait3A_575 = arith.constant 2 : i32
    %dma_wait3A_576 = arith.constant 0 : i32
    %dma_wait3A_577 = arith.constant 0 : i32
    %dma_wait3A_578 = tpu.memref_slice %arg6[%dma_wait3A_574, %dma_wait3A_576, %dma_wait3A_577] : memref<7x16x1024xf32, #tpu.memory_space<vmem>> -> memref<1x16x1024xf32, #tpu.memory_space<vmem>>
    %dma_wait3A_579 = tpu.memref_squeeze %dma_wait3A_578 : memref<1x16x1024xf32, #tpu.memory_space<vmem>> -> memref<16x1024xf32, #tpu.memory_space<vmem>>
    %dma_wait3A_580 = arith.constant 144 : i32
    %dma_wait3A_581 = tpu.memref_slice %arg5[%dma_wait3A_580] : memref<256xi32, #tpu.memory_space<vmem>> -> memref<16xi32, #tpu.memory_space<vmem>>
    %dma_wait3A_582 = arith.constant 0 : i32
    %dma_wait3A_583 = arith.constant 0 : i32
    %dma_wait3A_584 = tpu.memref_slice %arg2[%dma_wait3A_582, %dma_wait3A_583] : memref<8192x1024xf32, #tpu.memory_space<hbm>> -> memref<8192x1024xf32, #tpu.memory_space<hbm>>
    %dma_wait3A_585 = tpu.memref_slice %arg7[%dma_wait3A_575] : memref<7x!tpu.dma_semaphore, #tpu.memory_space<semaphore_mem>> -> memref<1x!tpu.dma_semaphore, #tpu.memory_space<semaphore_mem>>
    %dma_wait3A_586 = tpu.memref_squeeze %dma_wait3A_585 : memref<1x!tpu.dma_semaphore, #tpu.memory_space<semaphore_mem>> -> memref<!tpu.dma_semaphore, #tpu.memory_space<semaphore_mem>>
    tpu.wait_indirect_dma semaphore(%dma_wait3A_586 : memref<!tpu.dma_semaphore, #tpu.memory_space<semaphore_mem>>) src(%dma_wait3A_584 : memref<8192x1024xf32, #tpu.memory_space<hbm>>) dst(%dma_wait3A_579 : memref<16x1024xf32, #tpu.memory_space<vmem>>)
    %add3A_587 = arith.constant 144 : i32
    %add3A_588 = arith.addi %mul3A_2, %add3A_587 : i32
    %dma_start3A_589 = arith.constant 2 : i32
    %dma_start3A_590 = arith.constant 2 : i32
    %dma_start3A_591 = arith.constant 0 : i32
    %dma_start3A_592 = arith.constant 0 : i32
    %dma_start3A_593 = tpu.memref_slice %arg6[%dma_start3A_589, %dma_start3A_591, %dma_start3A_592] : memref<7x16x1024xf32, #tpu.memory_space<vmem>> -> memref<1x16x1024xf32, #tpu.memory_space<vmem>>
    %dma_start3A_594 = tpu.memref_squeeze %dma_start3A_593 : memref<1x16x1024xf32, #tpu.memory_space<vmem>> -> memref<16x1024xf32, #tpu.memory_space<vmem>>
    %dma_start3A_595 = arith.constant 0 : i32
    %dma_start3A_596 = tpu.memref_slice %arg4[%add3A_588, %dma_start3A_595] : memref<8192x1024xf32, #tpu.memory_space<hbm>> -> memref<16x1024xf32, #tpu.memory_space<hbm>>
    %dma_start3A_597 = tpu.memref_slice %arg8[%dma_start3A_590] : memref<7x!tpu.dma_semaphore, #tpu.memory_space<semaphore_mem>> -> memref<1x!tpu.dma_semaphore, #tpu.memory_space<semaphore_mem>>
    %dma_start3A_598 = tpu.memref_squeeze %dma_start3A_597 : memref<1x!tpu.dma_semaphore, #tpu.memory_space<semaphore_mem>> -> memref<!tpu.dma_semaphore, #tpu.memory_space<semaphore_mem>>
    %dma_start3A_599 = arith.constant 0 : i32
    %dma_start3A_600 = tpu.memref_slice %arg4[%add3A_588, %dma_start3A_599] : memref<8192x1024xf32, #tpu.memory_space<hbm>> -> memref<16x1024xf32, #tpu.memory_space<hbm>>
    %dma_start3A_601 = arith.constant 0 : i32
    %dma_start3A_602 = arith.constant 0 : i32
    %dma_start3A_603 = tpu.memref_slice %arg6[%dma_start3A_589, %dma_start3A_601, %dma_start3A_602] : memref<7x16x1024xf32, #tpu.memory_space<vmem>> -> memref<1x16x1024xf32, #tpu.memory_space<vmem>>
    %dma_start3A_604 = tpu.memref_squeeze %dma_start3A_603 : memref<1x16x1024xf32, #tpu.memory_space<vmem>> -> memref<16x1024xf32, #tpu.memory_space<vmem>>
    tpu.enqueue_dma source(%dma_start3A_604 : memref<16x1024xf32, #tpu.memory_space<vmem>>) target(%dma_start3A_600 : memref<16x1024xf32, #tpu.memory_space<hbm>>) target_semaphore(%dma_start3A_598 : memref<!tpu.dma_semaphore, #tpu.memory_space<semaphore_mem>>)
    %dma_wait3A_605 = arith.constant 0 : i32
    %dma_wait3A_606 = arith.constant 0 : i32
    %dma_wait3A_607 = arith.constant 0 : i32
    %dma_wait3A_608 = arith.constant 0 : i32
    %dma_wait3A_609 = tpu.memref_slice %arg6[%dma_wait3A_605, %dma_wait3A_607, %dma_wait3A_608] : memref<7x16x1024xf32, #tpu.memory_space<vmem>> -> memref<1x16x1024xf32, #tpu.memory_space<vmem>>
    %dma_wait3A_610 = tpu.memref_squeeze %dma_wait3A_609 : memref<1x16x1024xf32, #tpu.memory_space<vmem>> -> memref<16x1024xf32, #tpu.memory_space<vmem>>
    %dma_wait3A_611 = arith.constant 0 : i32
    %dma_wait3A_612 = tpu.memref_slice %arg4[%add3A_468, %dma_wait3A_611] : memref<8192x1024xf32, #tpu.memory_space<hbm>> -> memref<16x1024xf32, #tpu.memory_space<hbm>>
    %dma_wait3A_613 = tpu.memref_slice %arg8[%dma_wait3A_606] : memref<7x!tpu.dma_semaphore, #tpu.memory_space<semaphore_mem>> -> memref<1x!tpu.dma_semaphore, #tpu.memory_space<semaphore_mem>>
    %dma_wait3A_614 = tpu.memref_squeeze %dma_wait3A_613 : memref<1x!tpu.dma_semaphore, #tpu.memory_space<semaphore_mem>> -> memref<!tpu.dma_semaphore, #tpu.memory_space<semaphore_mem>>
    %dma_wait3A_615 = arith.constant 0 : i32
    %dma_wait3A_616 = tpu.memref_slice %arg4[%add3A_468, %dma_wait3A_615] : memref<8192x1024xf32, #tpu.memory_space<hbm>> -> memref<16x1024xf32, #tpu.memory_space<hbm>>
    %dma_wait3A_617 = arith.constant 0 : i32
    %dma_wait3A_618 = arith.constant 0 : i32
    %dma_wait3A_619 = tpu.memref_slice %arg6[%dma_wait3A_605, %dma_wait3A_617, %dma_wait3A_618] : memref<7x16x1024xf32, #tpu.memory_space<vmem>> -> memref<1x16x1024xf32, #tpu.memory_space<vmem>>
    %dma_wait3A_620 = tpu.memref_squeeze %dma_wait3A_619 : memref<1x16x1024xf32, #tpu.memory_space<vmem>> -> memref<16x1024xf32, #tpu.memory_space<vmem>>
    tpu.wait_dma2 semaphore(%dma_wait3A_614 : memref<!tpu.dma_semaphore, #tpu.memory_space<semaphore_mem>>) src(%dma_wait3A_620 : memref<16x1024xf32, #tpu.memory_space<vmem>>) dst(%dma_wait3A_616 : memref<16x1024xf32, #tpu.memory_space<hbm>>)
    %dma_start3A_621 = arith.constant 0 : i32
    %dma_start3A_622 = arith.constant 0 : i32
    %dma_start3A_623 = arith.constant 0 : i32
    %dma_start3A_624 = arith.constant 0 : i32
    %dma_start3A_625 = tpu.memref_slice %arg6[%dma_start3A_621, %dma_start3A_623, %dma_start3A_624] : memref<7x16x1024xf32, #tpu.memory_space<vmem>> -> memref<1x16x1024xf32, #tpu.memory_space<vmem>>
    %dma_start3A_626 = tpu.memref_squeeze %dma_start3A_625 : memref<1x16x1024xf32, #tpu.memory_space<vmem>> -> memref<16x1024xf32, #tpu.memory_space<vmem>>
    %dma_start3A_627 = arith.constant 224 : i32
    %dma_start3A_628 = tpu.memref_slice %arg5[%dma_start3A_627] : memref<256xi32, #tpu.memory_space<vmem>> -> memref<16xi32, #tpu.memory_space<vmem>>
    %dma_start3A_629 = arith.constant 0 : i32
    %dma_start3A_630 = arith.constant 0 : i32
    %dma_start3A_631 = tpu.memref_slice %arg2[%dma_start3A_629, %dma_start3A_630] : memref<8192x1024xf32, #tpu.memory_space<hbm>> -> memref<8192x1024xf32, #tpu.memory_space<hbm>>
    %dma_start3A_632 = tpu.memref_slice %arg7[%dma_start3A_622] : memref<7x!tpu.dma_semaphore, #tpu.memory_space<semaphore_mem>> -> memref<1x!tpu.dma_semaphore, #tpu.memory_space<semaphore_mem>>
    %dma_start3A_633 = tpu.memref_squeeze %dma_start3A_632 : memref<1x!tpu.dma_semaphore, #tpu.memory_space<semaphore_mem>> -> memref<!tpu.dma_semaphore, #tpu.memory_space<semaphore_mem>>
    tpu.enqueue_indirect_dma source(%dma_start3A_631 : memref<8192x1024xf32, #tpu.memory_space<hbm>>) target(%dma_start3A_626 : memref<16x1024xf32, #tpu.memory_space<vmem>>) offsets(%dma_start3A_628 : memref<16xi32, #tpu.memory_space<vmem>>) semaphore(%dma_start3A_633 : memref<!tpu.dma_semaphore, #tpu.memory_space<semaphore_mem>>)
    %dma_wait3A_634 = arith.constant 3 : i32
    %dma_wait3A_635 = arith.constant 3 : i32
    %dma_wait3A_636 = arith.constant 0 : i32
    %dma_wait3A_637 = arith.constant 0 : i32
    %dma_wait3A_638 = tpu.memref_slice %arg6[%dma_wait3A_634, %dma_wait3A_636, %dma_wait3A_637] : memref<7x16x1024xf32, #tpu.memory_space<vmem>> -> memref<1x16x1024xf32, #tpu.memory_space<vmem>>
    %dma_wait3A_639 = tpu.memref_squeeze %dma_wait3A_638 : memref<1x16x1024xf32, #tpu.memory_space<vmem>> -> memref<16x1024xf32, #tpu.memory_space<vmem>>
    %dma_wait3A_640 = arith.constant 160 : i32
    %dma_wait3A_641 = tpu.memref_slice %arg5[%dma_wait3A_640] : memref<256xi32, #tpu.memory_space<vmem>> -> memref<16xi32, #tpu.memory_space<vmem>>
    %dma_wait3A_642 = arith.constant 0 : i32
    %dma_wait3A_643 = arith.constant 0 : i32
    %dma_wait3A_644 = tpu.memref_slice %arg2[%dma_wait3A_642, %dma_wait3A_643] : memref<8192x1024xf32, #tpu.memory_space<hbm>> -> memref<8192x1024xf32, #tpu.memory_space<hbm>>
    %dma_wait3A_645 = tpu.memref_slice %arg7[%dma_wait3A_635] : memref<7x!tpu.dma_semaphore, #tpu.memory_space<semaphore_mem>> -> memref<1x!tpu.dma_semaphore, #tpu.memory_space<semaphore_mem>>
    %dma_wait3A_646 = tpu.memref_squeeze %dma_wait3A_645 : memref<1x!tpu.dma_semaphore, #tpu.memory_space<semaphore_mem>> -> memref<!tpu.dma_semaphore, #tpu.memory_space<semaphore_mem>>
    tpu.wait_indirect_dma semaphore(%dma_wait3A_646 : memref<!tpu.dma_semaphore, #tpu.memory_space<semaphore_mem>>) src(%dma_wait3A_644 : memref<8192x1024xf32, #tpu.memory_space<hbm>>) dst(%dma_wait3A_639 : memref<16x1024xf32, #tpu.memory_space<vmem>>)
    %add3A_647 = arith.constant 160 : i32
    %add3A_648 = arith.addi %mul3A_2, %add3A_647 : i32
    %dma_start3A_649 = arith.constant 3 : i32
    %dma_start3A_650 = arith.constant 3 : i32
    %dma_start3A_651 = arith.constant 0 : i32
    %dma_start3A_652 = arith.constant 0 : i32
    %dma_start3A_653 = tpu.memref_slice %arg6[%dma_start3A_649, %dma_start3A_651, %dma_start3A_652] : memref<7x16x1024xf32, #tpu.memory_space<vmem>> -> memref<1x16x1024xf32, #tpu.memory_space<vmem>>
    %dma_start3A_654 = tpu.memref_squeeze %dma_start3A_653 : memref<1x16x1024xf32, #tpu.memory_space<vmem>> -> memref<16x1024xf32, #tpu.memory_space<vmem>>
    %dma_start3A_655 = arith.constant 0 : i32
    %dma_start3A_656 = tpu.memref_slice %arg4[%add3A_648, %dma_start3A_655] : memref<8192x1024xf32, #tpu.memory_space<hbm>> -> memref<16x1024xf32, #tpu.memory_space<hbm>>
    %dma_start3A_657 = tpu.memref_slice %arg8[%dma_start3A_650] : memref<7x!tpu.dma_semaphore, #tpu.memory_space<semaphore_mem>> -> memref<1x!tpu.dma_semaphore, #tpu.memory_space<semaphore_mem>>
    %dma_start3A_658 = tpu.memref_squeeze %dma_start3A_657 : memref<1x!tpu.dma_semaphore, #tpu.memory_space<semaphore_mem>> -> memref<!tpu.dma_semaphore, #tpu.memory_space<semaphore_mem>>
    %dma_start3A_659 = arith.constant 0 : i32
    %dma_start3A_660 = tpu.memref_slice %arg4[%add3A_648, %dma_start3A_659] : memref<8192x1024xf32, #tpu.memory_space<hbm>> -> memref<16x1024xf32, #tpu.memory_space<hbm>>
    %dma_start3A_661 = arith.constant 0 : i32
    %dma_start3A_662 = arith.constant 0 : i32
    %dma_start3A_663 = tpu.memref_slice %arg6[%dma_start3A_649, %dma_start3A_661, %dma_start3A_662] : memref<7x16x1024xf32, #tpu.memory_space<vmem>> -> memref<1x16x1024xf32, #tpu.memory_space<vmem>>
    %dma_start3A_664 = tpu.memref_squeeze %dma_start3A_663 : memref<1x16x1024xf32, #tpu.memory_space<vmem>> -> memref<16x1024xf32, #tpu.memory_space<vmem>>
    tpu.enqueue_dma source(%dma_start3A_664 : memref<16x1024xf32, #tpu.memory_space<vmem>>) target(%dma_start3A_660 : memref<16x1024xf32, #tpu.memory_space<hbm>>) target_semaphore(%dma_start3A_658 : memref<!tpu.dma_semaphore, #tpu.memory_space<semaphore_mem>>)
    %dma_wait3A_665 = arith.constant 1 : i32
    %dma_wait3A_666 = arith.constant 1 : i32
    %dma_wait3A_667 = arith.constant 0 : i32
    %dma_wait3A_668 = arith.constant 0 : i32
    %dma_wait3A_669 = tpu.memref_slice %arg6[%dma_wait3A_665, %dma_wait3A_667, %dma_wait3A_668] : memref<7x16x1024xf32, #tpu.memory_space<vmem>> -> memref<1x16x1024xf32, #tpu.memory_space<vmem>>
    %dma_wait3A_670 = tpu.memref_squeeze %dma_wait3A_669 : memref<1x16x1024xf32, #tpu.memory_space<vmem>> -> memref<16x1024xf32, #tpu.memory_space<vmem>>
    %dma_wait3A_671 = arith.constant 0 : i32
    %dma_wait3A_672 = tpu.memref_slice %arg4[%add3A_528, %dma_wait3A_671] : memref<8192x1024xf32, #tpu.memory_space<hbm>> -> memref<16x1024xf32, #tpu.memory_space<hbm>>
    %dma_wait3A_673 = tpu.memref_slice %arg8[%dma_wait3A_666] : memref<7x!tpu.dma_semaphore, #tpu.memory_space<semaphore_mem>> -> memref<1x!tpu.dma_semaphore, #tpu.memory_space<semaphore_mem>>
    %dma_wait3A_674 = tpu.memref_squeeze %dma_wait3A_673 : memref<1x!tpu.dma_semaphore, #tpu.memory_space<semaphore_mem>> -> memref<!tpu.dma_semaphore, #tpu.memory_space<semaphore_mem>>
    %dma_wait3A_675 = arith.constant 0 : i32
    %dma_wait3A_676 = tpu.memref_slice %arg4[%add3A_528, %dma_wait3A_675] : memref<8192x1024xf32, #tpu.memory_space<hbm>> -> memref<16x1024xf32, #tpu.memory_space<hbm>>
    %dma_wait3A_677 = arith.constant 0 : i32
    %dma_wait3A_678 = arith.constant 0 : i32
    %dma_wait3A_679 = tpu.memref_slice %arg6[%dma_wait3A_665, %dma_wait3A_677, %dma_wait3A_678] : memref<7x16x1024xf32, #tpu.memory_space<vmem>> -> memref<1x16x1024xf32, #tpu.memory_space<vmem>>
    %dma_wait3A_680 = tpu.memref_squeeze %dma_wait3A_679 : memref<1x16x1024xf32, #tpu.memory_space<vmem>> -> memref<16x1024xf32, #tpu.memory_space<vmem>>
    tpu.wait_dma2 semaphore(%dma_wait3A_674 : memref<!tpu.dma_semaphore, #tpu.memory_space<semaphore_mem>>) src(%dma_wait3A_680 : memref<16x1024xf32, #tpu.memory_space<vmem>>) dst(%dma_wait3A_676 : memref<16x1024xf32, #tpu.memory_space<hbm>>)
    %dma_start3A_681 = arith.constant 1 : i32
    %dma_start3A_682 = arith.constant 1 : i32
    %dma_start3A_683 = arith.constant 0 : i32
    %dma_start3A_684 = arith.constant 0 : i32
    %dma_start3A_685 = tpu.memref_slice %arg6[%dma_start3A_681, %dma_start3A_683, %dma_start3A_684] : memref<7x16x1024xf32, #tpu.memory_space<vmem>> -> memref<1x16x1024xf32, #tpu.memory_space<vmem>>
    %dma_start3A_686 = tpu.memref_squeeze %dma_start3A_685 : memref<1x16x1024xf32, #tpu.memory_space<vmem>> -> memref<16x1024xf32, #tpu.memory_space<vmem>>
    %dma_start3A_687 = arith.constant 240 : i32
    %dma_start3A_688 = tpu.memref_slice %arg5[%dma_start3A_687] : memref<256xi32, #tpu.memory_space<vmem>> -> memref<16xi32, #tpu.memory_space<vmem>>
    %dma_start3A_689 = arith.constant 0 : i32
    %dma_start3A_690 = arith.constant 0 : i32
    %dma_start3A_691 = tpu.memref_slice %arg2[%dma_start3A_689, %dma_start3A_690] : memref<8192x1024xf32, #tpu.memory_space<hbm>> -> memref<8192x1024xf32, #tpu.memory_space<hbm>>
    %dma_start3A_692 = tpu.memref_slice %arg7[%dma_start3A_682] : memref<7x!tpu.dma_semaphore, #tpu.memory_space<semaphore_mem>> -> memref<1x!tpu.dma_semaphore, #tpu.memory_space<semaphore_mem>>
    %dma_start3A_693 = tpu.memref_squeeze %dma_start3A_692 : memref<1x!tpu.dma_semaphore, #tpu.memory_space<semaphore_mem>> -> memref<!tpu.dma_semaphore, #tpu.memory_space<semaphore_mem>>
    tpu.enqueue_indirect_dma source(%dma_start3A_691 : memref<8192x1024xf32, #tpu.memory_space<hbm>>) target(%dma_start3A_686 : memref<16x1024xf32, #tpu.memory_space<vmem>>) offsets(%dma_start3A_688 : memref<16xi32, #tpu.memory_space<vmem>>) semaphore(%dma_start3A_693 : memref<!tpu.dma_semaphore, #tpu.memory_space<semaphore_mem>>)
    %dma_wait3A_694 = arith.constant 4 : i32
    %dma_wait3A_695 = arith.constant 4 : i32
    %dma_wait3A_696 = arith.constant 0 : i32
    %dma_wait3A_697 = arith.constant 0 : i32
    %dma_wait3A_698 = tpu.memref_slice %arg6[%dma_wait3A_694, %dma_wait3A_696, %dma_wait3A_697] : memref<7x16x1024xf32, #tpu.memory_space<vmem>> -> memref<1x16x1024xf32, #tpu.memory_space<vmem>>
    %dma_wait3A_699 = tpu.memref_squeeze %dma_wait3A_698 : memref<1x16x1024xf32, #tpu.memory_space<vmem>> -> memref<16x1024xf32, #tpu.memory_space<vmem>>
    %dma_wait3A_700 = arith.constant 176 : i32
    %dma_wait3A_701 = tpu.memref_slice %arg5[%dma_wait3A_700] : memref<256xi32, #tpu.memory_space<vmem>> -> memref<16xi32, #tpu.memory_space<vmem>>
    %dma_wait3A_702 = arith.constant 0 : i32
    %dma_wait3A_703 = arith.constant 0 : i32
    %dma_wait3A_704 = tpu.memref_slice %arg2[%dma_wait3A_702, %dma_wait3A_703] : memref<8192x1024xf32, #tpu.memory_space<hbm>> -> memref<8192x1024xf32, #tpu.memory_space<hbm>>
    %dma_wait3A_705 = tpu.memref_slice %arg7[%dma_wait3A_695] : memref<7x!tpu.dma_semaphore, #tpu.memory_space<semaphore_mem>> -> memref<1x!tpu.dma_semaphore, #tpu.memory_space<semaphore_mem>>
    %dma_wait3A_706 = tpu.memref_squeeze %dma_wait3A_705 : memref<1x!tpu.dma_semaphore, #tpu.memory_space<semaphore_mem>> -> memref<!tpu.dma_semaphore, #tpu.memory_space<semaphore_mem>>
    tpu.wait_indirect_dma semaphore(%dma_wait3A_706 : memref<!tpu.dma_semaphore, #tpu.memory_space<semaphore_mem>>) src(%dma_wait3A_704 : memref<8192x1024xf32, #tpu.memory_space<hbm>>) dst(%dma_wait3A_699 : memref<16x1024xf32, #tpu.memory_space<vmem>>)
    %add3A_707 = arith.constant 176 : i32
    %add3A_708 = arith.addi %mul3A_2, %add3A_707 : i32
    %dma_start3A_709 = arith.constant 4 : i32
    %dma_start3A_710 = arith.constant 4 : i32
    %dma_start3A_711 = arith.constant 0 : i32
    %dma_start3A_712 = arith.constant 0 : i32
    %dma_start3A_713 = tpu.memref_slice %arg6[%dma_start3A_709, %dma_start3A_711, %dma_start3A_712] : memref<7x16x1024xf32, #tpu.memory_space<vmem>> -> memref<1x16x1024xf32, #tpu.memory_space<vmem>>
    %dma_start3A_714 = tpu.memref_squeeze %dma_start3A_713 : memref<1x16x1024xf32, #tpu.memory_space<vmem>> -> memref<16x1024xf32, #tpu.memory_space<vmem>>
    %dma_start3A_715 = arith.constant 0 : i32
    %dma_start3A_716 = tpu.memref_slice %arg4[%add3A_708, %dma_start3A_715] : memref<8192x1024xf32, #tpu.memory_space<hbm>> -> memref<16x1024xf32, #tpu.memory_space<hbm>>
    %dma_start3A_717 = tpu.memref_slice %arg8[%dma_start3A_710] : memref<7x!tpu.dma_semaphore, #tpu.memory_space<semaphore_mem>> -> memref<1x!tpu.dma_semaphore, #tpu.memory_space<semaphore_mem>>
    %dma_start3A_718 = tpu.memref_squeeze %dma_start3A_717 : memref<1x!tpu.dma_semaphore, #tpu.memory_space<semaphore_mem>> -> memref<!tpu.dma_semaphore, #tpu.memory_space<semaphore_mem>>
    %dma_start3A_719 = arith.constant 0 : i32
    %dma_start3A_720 = tpu.memref_slice %arg4[%add3A_708, %dma_start3A_719] : memref<8192x1024xf32, #tpu.memory_space<hbm>> -> memref<16x1024xf32, #tpu.memory_space<hbm>>
    %dma_start3A_721 = arith.constant 0 : i32
    %dma_start3A_722 = arith.constant 0 : i32
    %dma_start3A_723 = tpu.memref_slice %arg6[%dma_start3A_709, %dma_start3A_721, %dma_start3A_722] : memref<7x16x1024xf32, #tpu.memory_space<vmem>> -> memref<1x16x1024xf32, #tpu.memory_space<vmem>>
    %dma_start3A_724 = tpu.memref_squeeze %dma_start3A_723 : memref<1x16x1024xf32, #tpu.memory_space<vmem>> -> memref<16x1024xf32, #tpu.memory_space<vmem>>
    tpu.enqueue_dma source(%dma_start3A_724 : memref<16x1024xf32, #tpu.memory_space<vmem>>) target(%dma_start3A_720 : memref<16x1024xf32, #tpu.memory_space<hbm>>) target_semaphore(%dma_start3A_718 : memref<!tpu.dma_semaphore, #tpu.memory_space<semaphore_mem>>)
    %dma_wait3A_725 = arith.constant 5 : i32
    %dma_wait3A_726 = arith.constant 5 : i32
    %dma_wait3A_727 = arith.constant 0 : i32
    %dma_wait3A_728 = arith.constant 0 : i32
    %dma_wait3A_729 = tpu.memref_slice %arg6[%dma_wait3A_725, %dma_wait3A_727, %dma_wait3A_728] : memref<7x16x1024xf32, #tpu.memory_space<vmem>> -> memref<1x16x1024xf32, #tpu.memory_space<vmem>>
    %dma_wait3A_730 = tpu.memref_squeeze %dma_wait3A_729 : memref<1x16x1024xf32, #tpu.memory_space<vmem>> -> memref<16x1024xf32, #tpu.memory_space<vmem>>
    %dma_wait3A_731 = arith.constant 192 : i32
    %dma_wait3A_732 = tpu.memref_slice %arg5[%dma_wait3A_731] : memref<256xi32, #tpu.memory_space<vmem>> -> memref<16xi32, #tpu.memory_space<vmem>>
    %dma_wait3A_733 = arith.constant 0 : i32
    %dma_wait3A_734 = arith.constant 0 : i32
    %dma_wait3A_735 = tpu.memref_slice %arg2[%dma_wait3A_733, %dma_wait3A_734] : memref<8192x1024xf32, #tpu.memory_space<hbm>> -> memref<8192x1024xf32, #tpu.memory_space<hbm>>
    %dma_wait3A_736 = tpu.memref_slice %arg7[%dma_wait3A_726] : memref<7x!tpu.dma_semaphore, #tpu.memory_space<semaphore_mem>> -> memref<1x!tpu.dma_semaphore, #tpu.memory_space<semaphore_mem>>
    %dma_wait3A_737 = tpu.memref_squeeze %dma_wait3A_736 : memref<1x!tpu.dma_semaphore, #tpu.memory_space<semaphore_mem>> -> memref<!tpu.dma_semaphore, #tpu.memory_space<semaphore_mem>>
    tpu.wait_indirect_dma semaphore(%dma_wait3A_737 : memref<!tpu.dma_semaphore, #tpu.memory_space<semaphore_mem>>) src(%dma_wait3A_735 : memref<8192x1024xf32, #tpu.memory_space<hbm>>) dst(%dma_wait3A_730 : memref<16x1024xf32, #tpu.memory_space<vmem>>)
    %add3A_738 = arith.constant 192 : i32
    %add3A_739 = arith.addi %mul3A_2, %add3A_738 : i32
    %dma_start3A_740 = arith.constant 5 : i32
    %dma_start3A_741 = arith.constant 5 : i32
    %dma_start3A_742 = arith.constant 0 : i32
    %dma_start3A_743 = arith.constant 0 : i32
    %dma_start3A_744 = tpu.memref_slice %arg6[%dma_start3A_740, %dma_start3A_742, %dma_start3A_743] : memref<7x16x1024xf32, #tpu.memory_space<vmem>> -> memref<1x16x1024xf32, #tpu.memory_space<vmem>>
    %dma_start3A_745 = tpu.memref_squeeze %dma_start3A_744 : memref<1x16x1024xf32, #tpu.memory_space<vmem>> -> memref<16x1024xf32, #tpu.memory_space<vmem>>
    %dma_start3A_746 = arith.constant 0 : i32
    %dma_start3A_747 = tpu.memref_slice %arg4[%add3A_739, %dma_start3A_746] : memref<8192x1024xf32, #tpu.memory_space<hbm>> -> memref<16x1024xf32, #tpu.memory_space<hbm>>
    %dma_start3A_748 = tpu.memref_slice %arg8[%dma_start3A_741] : memref<7x!tpu.dma_semaphore, #tpu.memory_space<semaphore_mem>> -> memref<1x!tpu.dma_semaphore, #tpu.memory_space<semaphore_mem>>
    %dma_start3A_749 = tpu.memref_squeeze %dma_start3A_748 : memref<1x!tpu.dma_semaphore, #tpu.memory_space<semaphore_mem>> -> memref<!tpu.dma_semaphore, #tpu.memory_space<semaphore_mem>>
    %dma_start3A_750 = arith.constant 0 : i32
    %dma_start3A_751 = tpu.memref_slice %arg4[%add3A_739, %dma_start3A_750] : memref<8192x1024xf32, #tpu.memory_space<hbm>> -> memref<16x1024xf32, #tpu.memory_space<hbm>>
    %dma_start3A_752 = arith.constant 0 : i32
    %dma_start3A_753 = arith.constant 0 : i32
    %dma_start3A_754 = tpu.memref_slice %arg6[%dma_start3A_740, %dma_start3A_752, %dma_start3A_753] : memref<7x16x1024xf32, #tpu.memory_space<vmem>> -> memref<1x16x1024xf32, #tpu.memory_space<vmem>>
    %dma_start3A_755 = tpu.memref_squeeze %dma_start3A_754 : memref<1x16x1024xf32, #tpu.memory_space<vmem>> -> memref<16x1024xf32, #tpu.memory_space<vmem>>
    tpu.enqueue_dma source(%dma_start3A_755 : memref<16x1024xf32, #tpu.memory_space<vmem>>) target(%dma_start3A_751 : memref<16x1024xf32, #tpu.memory_space<hbm>>) target_semaphore(%dma_start3A_749 : memref<!tpu.dma_semaphore, #tpu.memory_space<semaphore_mem>>)
    %dma_wait3A_756 = arith.constant 6 : i32
    %dma_wait3A_757 = arith.constant 6 : i32
    %dma_wait3A_758 = arith.constant 0 : i32
    %dma_wait3A_759 = arith.constant 0 : i32
    %dma_wait3A_760 = tpu.memref_slice %arg6[%dma_wait3A_756, %dma_wait3A_758, %dma_wait3A_759] : memref<7x16x1024xf32, #tpu.memory_space<vmem>> -> memref<1x16x1024xf32, #tpu.memory_space<vmem>>
    %dma_wait3A_761 = tpu.memref_squeeze %dma_wait3A_760 : memref<1x16x1024xf32, #tpu.memory_space<vmem>> -> memref<16x1024xf32, #tpu.memory_space<vmem>>
    %dma_wait3A_762 = arith.constant 208 : i32
    %dma_wait3A_763 = tpu.memref_slice %arg5[%dma_wait3A_762] : memref<256xi32, #tpu.memory_space<vmem>> -> memref<16xi32, #tpu.memory_space<vmem>>
    %dma_wait3A_764 = arith.constant 0 : i32
    %dma_wait3A_765 = arith.constant 0 : i32
    %dma_wait3A_766 = tpu.memref_slice %arg2[%dma_wait3A_764, %dma_wait3A_765] : memref<8192x1024xf32, #tpu.memory_space<hbm>> -> memref<8192x1024xf32, #tpu.memory_space<hbm>>
    %dma_wait3A_767 = tpu.memref_slice %arg7[%dma_wait3A_757] : memref<7x!tpu.dma_semaphore, #tpu.memory_space<semaphore_mem>> -> memref<1x!tpu.dma_semaphore, #tpu.memory_space<semaphore_mem>>
    %dma_wait3A_768 = tpu.memref_squeeze %dma_wait3A_767 : memref<1x!tpu.dma_semaphore, #tpu.memory_space<semaphore_mem>> -> memref<!tpu.dma_semaphore, #tpu.memory_space<semaphore_mem>>
    tpu.wait_indirect_dma semaphore(%dma_wait3A_768 : memref<!tpu.dma_semaphore, #tpu.memory_space<semaphore_mem>>) src(%dma_wait3A_766 : memref<8192x1024xf32, #tpu.memory_space<hbm>>) dst(%dma_wait3A_761 : memref<16x1024xf32, #tpu.memory_space<vmem>>)
    %add3A_769 = arith.constant 208 : i32
    %add3A_770 = arith.addi %mul3A_2, %add3A_769 : i32
    %dma_start3A_771 = arith.constant 6 : i32
    %dma_start3A_772 = arith.constant 6 : i32
    %dma_start3A_773 = arith.constant 0 : i32
    %dma_start3A_774 = arith.constant 0 : i32
    %dma_start3A_775 = tpu.memref_slice %arg6[%dma_start3A_771, %dma_start3A_773, %dma_start3A_774] : memref<7x16x1024xf32, #tpu.memory_space<vmem>> -> memref<1x16x1024xf32, #tpu.memory_space<vmem>>
    %dma_start3A_776 = tpu.memref_squeeze %dma_start3A_775 : memref<1x16x1024xf32, #tpu.memory_space<vmem>> -> memref<16x1024xf32, #tpu.memory_space<vmem>>
    %dma_start3A_777 = arith.constant 0 : i32
    %dma_start3A_778 = tpu.memref_slice %arg4[%add3A_770, %dma_start3A_777] : memref<8192x1024xf32, #tpu.memory_space<hbm>> -> memref<16x1024xf32, #tpu.memory_space<hbm>>
    %dma_start3A_779 = tpu.memref_slice %arg8[%dma_start3A_772] : memref<7x!tpu.dma_semaphore, #tpu.memory_space<semaphore_mem>> -> memref<1x!tpu.dma_semaphore, #tpu.memory_space<semaphore_mem>>
    %dma_start3A_780 = tpu.memref_squeeze %dma_start3A_779 : memref<1x!tpu.dma_semaphore, #tpu.memory_space<semaphore_mem>> -> memref<!tpu.dma_semaphore, #tpu.memory_space<semaphore_mem>>
    %dma_start3A_781 = arith.constant 0 : i32
    %dma_start3A_782 = tpu.memref_slice %arg4[%add3A_770, %dma_start3A_781] : memref<8192x1024xf32, #tpu.memory_space<hbm>> -> memref<16x1024xf32, #tpu.memory_space<hbm>>
    %dma_start3A_783 = arith.constant 0 : i32
    %dma_start3A_784 = arith.constant 0 : i32
    %dma_start3A_785 = tpu.memref_slice %arg6[%dma_start3A_771, %dma_start3A_783, %dma_start3A_784] : memref<7x16x1024xf32, #tpu.memory_space<vmem>> -> memref<1x16x1024xf32, #tpu.memory_space<vmem>>
    %dma_start3A_786 = tpu.memref_squeeze %dma_start3A_785 : memref<1x16x1024xf32, #tpu.memory_space<vmem>> -> memref<16x1024xf32, #tpu.memory_space<vmem>>
    tpu.enqueue_dma source(%dma_start3A_786 : memref<16x1024xf32, #tpu.memory_space<vmem>>) target(%dma_start3A_782 : memref<16x1024xf32, #tpu.memory_space<hbm>>) target_semaphore(%dma_start3A_780 : memref<!tpu.dma_semaphore, #tpu.memory_space<semaphore_mem>>)
    %dma_wait3A_787 = arith.constant 0 : i32
    %dma_wait3A_788 = arith.constant 0 : i32
    %dma_wait3A_789 = arith.constant 0 : i32
    %dma_wait3A_790 = arith.constant 0 : i32
    %dma_wait3A_791 = tpu.memref_slice %arg6[%dma_wait3A_787, %dma_wait3A_789, %dma_wait3A_790] : memref<7x16x1024xf32, #tpu.memory_space<vmem>> -> memref<1x16x1024xf32, #tpu.memory_space<vmem>>
    %dma_wait3A_792 = tpu.memref_squeeze %dma_wait3A_791 : memref<1x16x1024xf32, #tpu.memory_space<vmem>> -> memref<16x1024xf32, #tpu.memory_space<vmem>>
    %dma_wait3A_793 = arith.constant 224 : i32
    %dma_wait3A_794 = tpu.memref_slice %arg5[%dma_wait3A_793] : memref<256xi32, #tpu.memory_space<vmem>> -> memref<16xi32, #tpu.memory_space<vmem>>
    %dma_wait3A_795 = arith.constant 0 : i32
    %dma_wait3A_796 = arith.constant 0 : i32
    %dma_wait3A_797 = tpu.memref_slice %arg2[%dma_wait3A_795, %dma_wait3A_796] : memref<8192x1024xf32, #tpu.memory_space<hbm>> -> memref<8192x1024xf32, #tpu.memory_space<hbm>>
    %dma_wait3A_798 = tpu.memref_slice %arg7[%dma_wait3A_788] : memref<7x!tpu.dma_semaphore, #tpu.memory_space<semaphore_mem>> -> memref<1x!tpu.dma_semaphore, #tpu.memory_space<semaphore_mem>>
    %dma_wait3A_799 = tpu.memref_squeeze %dma_wait3A_798 : memref<1x!tpu.dma_semaphore, #tpu.memory_space<semaphore_mem>> -> memref<!tpu.dma_semaphore, #tpu.memory_space<semaphore_mem>>
    tpu.wait_indirect_dma semaphore(%dma_wait3A_799 : memref<!tpu.dma_semaphore, #tpu.memory_space<semaphore_mem>>) src(%dma_wait3A_797 : memref<8192x1024xf32, #tpu.memory_space<hbm>>) dst(%dma_wait3A_792 : memref<16x1024xf32, #tpu.memory_space<vmem>>)
    %add3A_800 = arith.constant 224 : i32
    %add3A_801 = arith.addi %mul3A_2, %add3A_800 : i32
    %dma_start3A_802 = arith.constant 0 : i32
    %dma_start3A_803 = arith.constant 0 : i32
    %dma_start3A_804 = arith.constant 0 : i32
    %dma_start3A_805 = arith.constant 0 : i32
    %dma_start3A_806 = tpu.memref_slice %arg6[%dma_start3A_802, %dma_start3A_804, %dma_start3A_805] : memref<7x16x1024xf32, #tpu.memory_space<vmem>> -> memref<1x16x1024xf32, #tpu.memory_space<vmem>>
    %dma_start3A_807 = tpu.memref_squeeze %dma_start3A_806 : memref<1x16x1024xf32, #tpu.memory_space<vmem>> -> memref<16x1024xf32, #tpu.memory_space<vmem>>
    %dma_start3A_808 = arith.constant 0 : i32
    %dma_start3A_809 = tpu.memref_slice %arg4[%add3A_801, %dma_start3A_808] : memref<8192x1024xf32, #tpu.memory_space<hbm>> -> memref<16x1024xf32, #tpu.memory_space<hbm>>
    %dma_start3A_810 = tpu.memref_slice %arg8[%dma_start3A_803] : memref<7x!tpu.dma_semaphore, #tpu.memory_space<semaphore_mem>> -> memref<1x!tpu.dma_semaphore, #tpu.memory_space<semaphore_mem>>
    %dma_start3A_811 = tpu.memref_squeeze %dma_start3A_810 : memref<1x!tpu.dma_semaphore, #tpu.memory_space<semaphore_mem>> -> memref<!tpu.dma_semaphore, #tpu.memory_space<semaphore_mem>>
    %dma_start3A_812 = arith.constant 0 : i32
    %dma_start3A_813 = tpu.memref_slice %arg4[%add3A_801, %dma_start3A_812] : memref<8192x1024xf32, #tpu.memory_space<hbm>> -> memref<16x1024xf32, #tpu.memory_space<hbm>>
    %dma_start3A_814 = arith.constant 0 : i32
    %dma_start3A_815 = arith.constant 0 : i32
    %dma_start3A_816 = tpu.memref_slice %arg6[%dma_start3A_802, %dma_start3A_814, %dma_start3A_815] : memref<7x16x1024xf32, #tpu.memory_space<vmem>> -> memref<1x16x1024xf32, #tpu.memory_space<vmem>>
    %dma_start3A_817 = tpu.memref_squeeze %dma_start3A_816 : memref<1x16x1024xf32, #tpu.memory_space<vmem>> -> memref<16x1024xf32, #tpu.memory_space<vmem>>
    tpu.enqueue_dma source(%dma_start3A_817 : memref<16x1024xf32, #tpu.memory_space<vmem>>) target(%dma_start3A_813 : memref<16x1024xf32, #tpu.memory_space<hbm>>) target_semaphore(%dma_start3A_811 : memref<!tpu.dma_semaphore, #tpu.memory_space<semaphore_mem>>)
    %dma_wait3A_818 = arith.constant 1 : i32
    %dma_wait3A_819 = arith.constant 1 : i32
    %dma_wait3A_820 = arith.constant 0 : i32
    %dma_wait3A_821 = arith.constant 0 : i32
    %dma_wait3A_822 = tpu.memref_slice %arg6[%dma_wait3A_818, %dma_wait3A_820, %dma_wait3A_821] : memref<7x16x1024xf32, #tpu.memory_space<vmem>> -> memref<1x16x1024xf32, #tpu.memory_space<vmem>>
    %dma_wait3A_823 = tpu.memref_squeeze %dma_wait3A_822 : memref<1x16x1024xf32, #tpu.memory_space<vmem>> -> memref<16x1024xf32, #tpu.memory_space<vmem>>
    %dma_wait3A_824 = arith.constant 240 : i32
    %dma_wait3A_825 = tpu.memref_slice %arg5[%dma_wait3A_824] : memref<256xi32, #tpu.memory_space<vmem>> -> memref<16xi32, #tpu.memory_space<vmem>>
    %dma_wait3A_826 = arith.constant 0 : i32
    %dma_wait3A_827 = arith.constant 0 : i32
    %dma_wait3A_828 = tpu.memref_slice %arg2[%dma_wait3A_826, %dma_wait3A_827] : memref<8192x1024xf32, #tpu.memory_space<hbm>> -> memref<8192x1024xf32, #tpu.memory_space<hbm>>
    %dma_wait3A_829 = tpu.memref_slice %arg7[%dma_wait3A_819] : memref<7x!tpu.dma_semaphore, #tpu.memory_space<semaphore_mem>> -> memref<1x!tpu.dma_semaphore, #tpu.memory_space<semaphore_mem>>
    %dma_wait3A_830 = tpu.memref_squeeze %dma_wait3A_829 : memref<1x!tpu.dma_semaphore, #tpu.memory_space<semaphore_mem>> -> memref<!tpu.dma_semaphore, #tpu.memory_space<semaphore_mem>>
    tpu.wait_indirect_dma semaphore(%dma_wait3A_830 : memref<!tpu.dma_semaphore, #tpu.memory_space<semaphore_mem>>) src(%dma_wait3A_828 : memref<8192x1024xf32, #tpu.memory_space<hbm>>) dst(%dma_wait3A_823 : memref<16x1024xf32, #tpu.memory_space<vmem>>)
    %add3A_831 = arith.constant 240 : i32
    %add3A_832 = arith.addi %mul3A_2, %add3A_831 : i32
    %dma_start3A_833 = arith.constant 1 : i32
    %dma_start3A_834 = arith.constant 1 : i32
    %dma_start3A_835 = arith.constant 0 : i32
    %dma_start3A_836 = arith.constant 0 : i32
    %dma_start3A_837 = tpu.memref_slice %arg6[%dma_start3A_833, %dma_start3A_835, %dma_start3A_836] : memref<7x16x1024xf32, #tpu.memory_space<vmem>> -> memref<1x16x1024xf32, #tpu.memory_space<vmem>>
    %dma_start3A_838 = tpu.memref_squeeze %dma_start3A_837 : memref<1x16x1024xf32, #tpu.memory_space<vmem>> -> memref<16x1024xf32, #tpu.memory_space<vmem>>
    %dma_start3A_839 = arith.constant 0 : i32
    %dma_start3A_840 = tpu.memref_slice %arg4[%add3A_832, %dma_start3A_839] : memref<8192x1024xf32, #tpu.memory_space<hbm>> -> memref<16x1024xf32, #tpu.memory_space<hbm>>
    %dma_start3A_841 = tpu.memref_slice %arg8[%dma_start3A_834] : memref<7x!tpu.dma_semaphore, #tpu.memory_space<semaphore_mem>> -> memref<1x!tpu.dma_semaphore, #tpu.memory_space<semaphore_mem>>
    %dma_start3A_842 = tpu.memref_squeeze %dma_start3A_841 : memref<1x!tpu.dma_semaphore, #tpu.memory_space<semaphore_mem>> -> memref<!tpu.dma_semaphore, #tpu.memory_space<semaphore_mem>>
    %dma_start3A_843 = arith.constant 0 : i32
    %dma_start3A_844 = tpu.memref_slice %arg4[%add3A_832, %dma_start3A_843] : memref<8192x1024xf32, #tpu.memory_space<hbm>> -> memref<16x1024xf32, #tpu.memory_space<hbm>>
    %dma_start3A_845 = arith.constant 0 : i32
    %dma_start3A_846 = arith.constant 0 : i32
    %dma_start3A_847 = tpu.memref_slice %arg6[%dma_start3A_833, %dma_start3A_845, %dma_start3A_846] : memref<7x16x1024xf32, #tpu.memory_space<vmem>> -> memref<1x16x1024xf32, #tpu.memory_space<vmem>>
    %dma_start3A_848 = tpu.memref_squeeze %dma_start3A_847 : memref<1x16x1024xf32, #tpu.memory_space<vmem>> -> memref<16x1024xf32, #tpu.memory_space<vmem>>
    tpu.enqueue_dma source(%dma_start3A_848 : memref<16x1024xf32, #tpu.memory_space<vmem>>) target(%dma_start3A_844 : memref<16x1024xf32, #tpu.memory_space<hbm>>) target_semaphore(%dma_start3A_842 : memref<!tpu.dma_semaphore, #tpu.memory_space<semaphore_mem>>)
    %dma_wait3A_849 = arith.constant 2 : i32
    %dma_wait3A_850 = arith.constant 2 : i32
    %dma_wait3A_851 = arith.constant 0 : i32
    %dma_wait3A_852 = arith.constant 0 : i32
    %dma_wait3A_853 = tpu.memref_slice %arg6[%dma_wait3A_849, %dma_wait3A_851, %dma_wait3A_852] : memref<7x16x1024xf32, #tpu.memory_space<vmem>> -> memref<1x16x1024xf32, #tpu.memory_space<vmem>>
    %dma_wait3A_854 = tpu.memref_squeeze %dma_wait3A_853 : memref<1x16x1024xf32, #tpu.memory_space<vmem>> -> memref<16x1024xf32, #tpu.memory_space<vmem>>
    %dma_wait3A_855 = arith.constant 0 : i32
    %dma_wait3A_856 = tpu.memref_slice %arg4[%add3A_588, %dma_wait3A_855] : memref<8192x1024xf32, #tpu.memory_space<hbm>> -> memref<16x1024xf32, #tpu.memory_space<hbm>>
    %dma_wait3A_857 = tpu.memref_slice %arg8[%dma_wait3A_850] : memref<7x!tpu.dma_semaphore, #tpu.memory_space<semaphore_mem>> -> memref<1x!tpu.dma_semaphore, #tpu.memory_space<semaphore_mem>>
    %dma_wait3A_858 = tpu.memref_squeeze %dma_wait3A_857 : memref<1x!tpu.dma_semaphore, #tpu.memory_space<semaphore_mem>> -> memref<!tpu.dma_semaphore, #tpu.memory_space<semaphore_mem>>
    %dma_wait3A_859 = arith.constant 0 : i32
    %dma_wait3A_860 = tpu.memref_slice %arg4[%add3A_588, %dma_wait3A_859] : memref<8192x1024xf32, #tpu.memory_space<hbm>> -> memref<16x1024xf32, #tpu.memory_space<hbm>>
    %dma_wait3A_861 = arith.constant 0 : i32
    %dma_wait3A_862 = arith.constant 0 : i32
    %dma_wait3A_863 = tpu.memref_slice %arg6[%dma_wait3A_849, %dma_wait3A_861, %dma_wait3A_862] : memref<7x16x1024xf32, #tpu.memory_space<vmem>> -> memref<1x16x1024xf32, #tpu.memory_space<vmem>>
    %dma_wait3A_864 = tpu.memref_squeeze %dma_wait3A_863 : memref<1x16x1024xf32, #tpu.memory_space<vmem>> -> memref<16x1024xf32, #tpu.memory_space<vmem>>
    tpu.wait_dma2 semaphore(%dma_wait3A_858 : memref<!tpu.dma_semaphore, #tpu.memory_space<semaphore_mem>>) src(%dma_wait3A_864 : memref<16x1024xf32, #tpu.memory_space<vmem>>) dst(%dma_wait3A_860 : memref<16x1024xf32, #tpu.memory_space<hbm>>)
    %dma_wait3A_865 = arith.constant 3 : i32
    %dma_wait3A_866 = arith.constant 3 : i32
    %dma_wait3A_867 = arith.constant 0 : i32
    %dma_wait3A_868 = arith.constant 0 : i32
    %dma_wait3A_869 = tpu.memref_slice %arg6[%dma_wait3A_865, %dma_wait3A_867, %dma_wait3A_868] : memref<7x16x1024xf32, #tpu.memory_space<vmem>> -> memref<1x16x1024xf32, #tpu.memory_space<vmem>>
    %dma_wait3A_870 = tpu.memref_squeeze %dma_wait3A_869 : memref<1x16x1024xf32, #tpu.memory_space<vmem>> -> memref<16x1024xf32, #tpu.memory_space<vmem>>
    %dma_wait3A_871 = arith.constant 0 : i32
    %dma_wait3A_872 = tpu.memref_slice %arg4[%add3A_648, %dma_wait3A_871] : memref<8192x1024xf32, #tpu.memory_space<hbm>> -> memref<16x1024xf32, #tpu.memory_space<hbm>>
    %dma_wait3A_873 = tpu.memref_slice %arg8[%dma_wait3A_866] : memref<7x!tpu.dma_semaphore, #tpu.memory_space<semaphore_mem>> -> memref<1x!tpu.dma_semaphore, #tpu.memory_space<semaphore_mem>>
    %dma_wait3A_874 = tpu.memref_squeeze %dma_wait3A_873 : memref<1x!tpu.dma_semaphore, #tpu.memory_space<semaphore_mem>> -> memref<!tpu.dma_semaphore, #tpu.memory_space<semaphore_mem>>
    %dma_wait3A_875 = arith.constant 0 : i32
    %dma_wait3A_876 = tpu.memref_slice %arg4[%add3A_648, %dma_wait3A_875] : memref<8192x1024xf32, #tpu.memory_space<hbm>> -> memref<16x1024xf32, #tpu.memory_space<hbm>>
    %dma_wait3A_877 = arith.constant 0 : i32
    %dma_wait3A_878 = arith.constant 0 : i32
    %dma_wait3A_879 = tpu.memref_slice %arg6[%dma_wait3A_865, %dma_wait3A_877, %dma_wait3A_878] : memref<7x16x1024xf32, #tpu.memory_space<vmem>> -> memref<1x16x1024xf32, #tpu.memory_space<vmem>>
    %dma_wait3A_880 = tpu.memref_squeeze %dma_wait3A_879 : memref<1x16x1024xf32, #tpu.memory_space<vmem>> -> memref<16x1024xf32, #tpu.memory_space<vmem>>
    tpu.wait_dma2 semaphore(%dma_wait3A_874 : memref<!tpu.dma_semaphore, #tpu.memory_space<semaphore_mem>>) src(%dma_wait3A_880 : memref<16x1024xf32, #tpu.memory_space<vmem>>) dst(%dma_wait3A_876 : memref<16x1024xf32, #tpu.memory_space<hbm>>)
    %dma_wait3A_881 = arith.constant 4 : i32
    %dma_wait3A_882 = arith.constant 4 : i32
    %dma_wait3A_883 = arith.constant 0 : i32
    %dma_wait3A_884 = arith.constant 0 : i32
    %dma_wait3A_885 = tpu.memref_slice %arg6[%dma_wait3A_881, %dma_wait3A_883, %dma_wait3A_884] : memref<7x16x1024xf32, #tpu.memory_space<vmem>> -> memref<1x16x1024xf32, #tpu.memory_space<vmem>>
    %dma_wait3A_886 = tpu.memref_squeeze %dma_wait3A_885 : memref<1x16x1024xf32, #tpu.memory_space<vmem>> -> memref<16x1024xf32, #tpu.memory_space<vmem>>
    %dma_wait3A_887 = arith.constant 0 : i32
    %dma_wait3A_888 = tpu.memref_slice %arg4[%add3A_708, %dma_wait3A_887] : memref<8192x1024xf32, #tpu.memory_space<hbm>> -> memref<16x1024xf32, #tpu.memory_space<hbm>>
    %dma_wait3A_889 = tpu.memref_slice %arg8[%dma_wait3A_882] : memref<7x!tpu.dma_semaphore, #tpu.memory_space<semaphore_mem>> -> memref<1x!tpu.dma_semaphore, #tpu.memory_space<semaphore_mem>>
    %dma_wait3A_890 = tpu.memref_squeeze %dma_wait3A_889 : memref<1x!tpu.dma_semaphore, #tpu.memory_space<semaphore_mem>> -> memref<!tpu.dma_semaphore, #tpu.memory_space<semaphore_mem>>
    %dma_wait3A_891 = arith.constant 0 : i32
    %dma_wait3A_892 = tpu.memref_slice %arg4[%add3A_708, %dma_wait3A_891] : memref<8192x1024xf32, #tpu.memory_space<hbm>> -> memref<16x1024xf32, #tpu.memory_space<hbm>>
    %dma_wait3A_893 = arith.constant 0 : i32
    %dma_wait3A_894 = arith.constant 0 : i32
    %dma_wait3A_895 = tpu.memref_slice %arg6[%dma_wait3A_881, %dma_wait3A_893, %dma_wait3A_894] : memref<7x16x1024xf32, #tpu.memory_space<vmem>> -> memref<1x16x1024xf32, #tpu.memory_space<vmem>>
    %dma_wait3A_896 = tpu.memref_squeeze %dma_wait3A_895 : memref<1x16x1024xf32, #tpu.memory_space<vmem>> -> memref<16x1024xf32, #tpu.memory_space<vmem>>
    tpu.wait_dma2 semaphore(%dma_wait3A_890 : memref<!tpu.dma_semaphore, #tpu.memory_space<semaphore_mem>>) src(%dma_wait3A_896 : memref<16x1024xf32, #tpu.memory_space<vmem>>) dst(%dma_wait3A_892 : memref<16x1024xf32, #tpu.memory_space<hbm>>)
    %dma_wait3A_897 = arith.constant 5 : i32
    %dma_wait3A_898 = arith.constant 5 : i32
    %dma_wait3A_899 = arith.constant 0 : i32
    %dma_wait3A_900 = arith.constant 0 : i32
    %dma_wait3A_901 = tpu.memref_slice %arg6[%dma_wait3A_897, %dma_wait3A_899, %dma_wait3A_900] : memref<7x16x1024xf32, #tpu.memory_space<vmem>> -> memref<1x16x1024xf32, #tpu.memory_space<vmem>>
    %dma_wait3A_902 = tpu.memref_squeeze %dma_wait3A_901 : memref<1x16x1024xf32, #tpu.memory_space<vmem>> -> memref<16x1024xf32, #tpu.memory_space<vmem>>
    %dma_wait3A_903 = arith.constant 0 : i32
    %dma_wait3A_904 = tpu.memref_slice %arg4[%add3A_739, %dma_wait3A_903] : memref<8192x1024xf32, #tpu.memory_space<hbm>> -> memref<16x1024xf32, #tpu.memory_space<hbm>>
    %dma_wait3A_905 = tpu.memref_slice %arg8[%dma_wait3A_898] : memref<7x!tpu.dma_semaphore, #tpu.memory_space<semaphore_mem>> -> memref<1x!tpu.dma_semaphore, #tpu.memory_space<semaphore_mem>>
    %dma_wait3A_906 = tpu.memref_squeeze %dma_wait3A_905 : memref<1x!tpu.dma_semaphore, #tpu.memory_space<semaphore_mem>> -> memref<!tpu.dma_semaphore, #tpu.memory_space<semaphore_mem>>
    %dma_wait3A_907 = arith.constant 0 : i32
    %dma_wait3A_908 = tpu.memref_slice %arg4[%add3A_739, %dma_wait3A_907] : memref<8192x1024xf32, #tpu.memory_space<hbm>> -> memref<16x1024xf32, #tpu.memory_space<hbm>>
    %dma_wait3A_909 = arith.constant 0 : i32
    %dma_wait3A_910 = arith.constant 0 : i32
    %dma_wait3A_911 = tpu.memref_slice %arg6[%dma_wait3A_897, %dma_wait3A_909, %dma_wait3A_910] : memref<7x16x1024xf32, #tpu.memory_space<vmem>> -> memref<1x16x1024xf32, #tpu.memory_space<vmem>>
    %dma_wait3A_912 = tpu.memref_squeeze %dma_wait3A_911 : memref<1x16x1024xf32, #tpu.memory_space<vmem>> -> memref<16x1024xf32, #tpu.memory_space<vmem>>
    tpu.wait_dma2 semaphore(%dma_wait3A_906 : memref<!tpu.dma_semaphore, #tpu.memory_space<semaphore_mem>>) src(%dma_wait3A_912 : memref<16x1024xf32, #tpu.memory_space<vmem>>) dst(%dma_wait3A_908 : memref<16x1024xf32, #tpu.memory_space<hbm>>)
    %dma_wait3A_913 = arith.constant 6 : i32
    %dma_wait3A_914 = arith.constant 6 : i32
    %dma_wait3A_915 = arith.constant 0 : i32
    %dma_wait3A_916 = arith.constant 0 : i32
    %dma_wait3A_917 = tpu.memref_slice %arg6[%dma_wait3A_913, %dma_wait3A_915, %dma_wait3A_916] : memref<7x16x1024xf32, #tpu.memory_space<vmem>> -> memref<1x16x1024xf32, #tpu.memory_space<vmem>>
    %dma_wait3A_918 = tpu.memref_squeeze %dma_wait3A_917 : memref<1x16x1024xf32, #tpu.memory_space<vmem>> -> memref<16x1024xf32, #tpu.memory_space<vmem>>
    %dma_wait3A_919 = arith.constant 0 : i32
    %dma_wait3A_920 = tpu.memref_slice %arg4[%add3A_770, %dma_wait3A_919] : memref<8192x1024xf32, #tpu.memory_space<hbm>> -> memref<16x1024xf32, #tpu.memory_space<hbm>>
    %dma_wait3A_921 = tpu.memref_slice %arg8[%dma_wait3A_914] : memref<7x!tpu.dma_semaphore, #tpu.memory_space<semaphore_mem>> -> memref<1x!tpu.dma_semaphore, #tpu.memory_space<semaphore_mem>>
    %dma_wait3A_922 = tpu.memref_squeeze %dma_wait3A_921 : memref<1x!tpu.dma_semaphore, #tpu.memory_space<semaphore_mem>> -> memref<!tpu.dma_semaphore, #tpu.memory_space<semaphore_mem>>
    %dma_wait3A_923 = arith.constant 0 : i32
    %dma_wait3A_924 = tpu.memref_slice %arg4[%add3A_770, %dma_wait3A_923] : memref<8192x1024xf32, #tpu.memory_space<hbm>> -> memref<16x1024xf32, #tpu.memory_space<hbm>>
    %dma_wait3A_925 = arith.constant 0 : i32
    %dma_wait3A_926 = arith.constant 0 : i32
    %dma_wait3A_927 = tpu.memref_slice %arg6[%dma_wait3A_913, %dma_wait3A_925, %dma_wait3A_926] : memref<7x16x1024xf32, #tpu.memory_space<vmem>> -> memref<1x16x1024xf32, #tpu.memory_space<vmem>>
    %dma_wait3A_928 = tpu.memref_squeeze %dma_wait3A_927 : memref<1x16x1024xf32, #tpu.memory_space<vmem>> -> memref<16x1024xf32, #tpu.memory_space<vmem>>
    tpu.wait_dma2 semaphore(%dma_wait3A_922 : memref<!tpu.dma_semaphore, #tpu.memory_space<semaphore_mem>>) src(%dma_wait3A_928 : memref<16x1024xf32, #tpu.memory_space<vmem>>) dst(%dma_wait3A_924 : memref<16x1024xf32, #tpu.memory_space<hbm>>)
    %dma_wait3A_929 = arith.constant 0 : i32
    %dma_wait3A_930 = arith.constant 0 : i32
    %dma_wait3A_931 = arith.constant 0 : i32
    %dma_wait3A_932 = arith.constant 0 : i32
    %dma_wait3A_933 = tpu.memref_slice %arg6[%dma_wait3A_929, %dma_wait3A_931, %dma_wait3A_932] : memref<7x16x1024xf32, #tpu.memory_space<vmem>> -> memref<1x16x1024xf32, #tpu.memory_space<vmem>>
    %dma_wait3A_934 = tpu.memref_squeeze %dma_wait3A_933 : memref<1x16x1024xf32, #tpu.memory_space<vmem>> -> memref<16x1024xf32, #tpu.memory_space<vmem>>
    %dma_wait3A_935 = arith.constant 0 : i32
    %dma_wait3A_936 = tpu.memref_slice %arg4[%add3A_801, %dma_wait3A_935] : memref<8192x1024xf32, #tpu.memory_space<hbm>> -> memref<16x1024xf32, #tpu.memory_space<hbm>>
    %dma_wait3A_937 = tpu.memref_slice %arg8[%dma_wait3A_930] : memref<7x!tpu.dma_semaphore, #tpu.memory_space<semaphore_mem>> -> memref<1x!tpu.dma_semaphore, #tpu.memory_space<semaphore_mem>>
    %dma_wait3A_938 = tpu.memref_squeeze %dma_wait3A_937 : memref<1x!tpu.dma_semaphore, #tpu.memory_space<semaphore_mem>> -> memref<!tpu.dma_semaphore, #tpu.memory_space<semaphore_mem>>
    %dma_wait3A_939 = arith.constant 0 : i32
    %dma_wait3A_940 = tpu.memref_slice %arg4[%add3A_801, %dma_wait3A_939] : memref<8192x1024xf32, #tpu.memory_space<hbm>> -> memref<16x1024xf32, #tpu.memory_space<hbm>>
    %dma_wait3A_941 = arith.constant 0 : i32
    %dma_wait3A_942 = arith.constant 0 : i32
    %dma_wait3A_943 = tpu.memref_slice %arg6[%dma_wait3A_929, %dma_wait3A_941, %dma_wait3A_942] : memref<7x16x1024xf32, #tpu.memory_space<vmem>> -> memref<1x16x1024xf32, #tpu.memory_space<vmem>>
    %dma_wait3A_944 = tpu.memref_squeeze %dma_wait3A_943 : memref<1x16x1024xf32, #tpu.memory_space<vmem>> -> memref<16x1024xf32, #tpu.memory_space<vmem>>
    tpu.wait_dma2 semaphore(%dma_wait3A_938 : memref<!tpu.dma_semaphore, #tpu.memory_space<semaphore_mem>>) src(%dma_wait3A_944 : memref<16x1024xf32, #tpu.memory_space<vmem>>) dst(%dma_wait3A_940 : memref<16x1024xf32, #tpu.memory_space<hbm>>)
    %dma_wait3A_945 = arith.constant 1 : i32
    %dma_wait3A_946 = arith.constant 1 : i32
    %dma_wait3A_947 = arith.constant 0 : i32
    %dma_wait3A_948 = arith.constant 0 : i32
    %dma_wait3A_949 = tpu.memref_slice %arg6[%dma_wait3A_945, %dma_wait3A_947, %dma_wait3A_948] : memref<7x16x1024xf32, #tpu.memory_space<vmem>> -> memref<1x16x1024xf32, #tpu.memory_space<vmem>>
    %dma_wait3A_950 = tpu.memref_squeeze %dma_wait3A_949 : memref<1x16x1024xf32, #tpu.memory_space<vmem>> -> memref<16x1024xf32, #tpu.memory_space<vmem>>
    %dma_wait3A_951 = arith.constant 0 : i32
    %dma_wait3A_952 = tpu.memref_slice %arg4[%add3A_832, %dma_wait3A_951] : memref<8192x1024xf32, #tpu.memory_space<hbm>> -> memref<16x1024xf32, #tpu.memory_space<hbm>>
    %dma_wait3A_953 = tpu.memref_slice %arg8[%dma_wait3A_946] : memref<7x!tpu.dma_semaphore, #tpu.memory_space<semaphore_mem>> -> memref<1x!tpu.dma_semaphore, #tpu.memory_space<semaphore_mem>>
    %dma_wait3A_954 = tpu.memref_squeeze %dma_wait3A_953 : memref<1x!tpu.dma_semaphore, #tpu.memory_space<semaphore_mem>> -> memref<!tpu.dma_semaphore, #tpu.memory_space<semaphore_mem>>
    %dma_wait3A_955 = arith.constant 0 : i32
    %dma_wait3A_956 = tpu.memref_slice %arg4[%add3A_832, %dma_wait3A_955] : memref<8192x1024xf32, #tpu.memory_space<hbm>> -> memref<16x1024xf32, #tpu.memory_space<hbm>>
    %dma_wait3A_957 = arith.constant 0 : i32
    %dma_wait3A_958 = arith.constant 0 : i32
    %dma_wait3A_959 = tpu.memref_slice %arg6[%dma_wait3A_945, %dma_wait3A_957, %dma_wait3A_958] : memref<7x16x1024xf32, #tpu.memory_space<vmem>> -> memref<1x16x1024xf32, #tpu.memory_space<vmem>>
    %dma_wait3A_960 = tpu.memref_squeeze %dma_wait3A_959 : memref<1x16x1024xf32, #tpu.memory_space<vmem>> -> memref<16x1024xf32, #tpu.memory_space<vmem>>
    tpu.wait_dma2 semaphore(%dma_wait3A_954 : memref<!tpu.dma_semaphore, #tpu.memory_space<semaphore_mem>>) src(%dma_wait3A_960 : memref<16x1024xf32, #tpu.memory_space<vmem>>) dst(%dma_wait3A_956 : memref<16x1024xf32, #tpu.memory_space<hbm>>)
    return
  }
}

</mosaic_0001>

<sc_bundles>
// kernel: kernel.3.cloned.1.call-start
scs
__scs_entry_jumppad:
0x0: {  	(pc) =	sbr.rel $0x88, $3  }
0x1: {  	(tag) =	ssettag $0x0;
	lr =	simm.s32 $0x1  }
0x2: {  	[smem:$0x3F9F] =	sst lr;
	_ =	strace $0xD0000000  }
0x3: {  	_ = 	snop  }
0x4: {  	_ = 	snop  }
0x5: {  	_ = 	snop  }
0x6: {  	_ = 	snop  }
0x7: {  	_ = 	snop  }
__scs_overlays_trampoline_lowered:
0x8: {  	[smem:$0x3FAE] =	sst s0  }
0x9: {  	[smem:$0x3FAF] =	sst s1  }
0xa: {  	[smem:$0x3FB0] =	sst s2  }
0xb: {  	[smem:$0x3FB1] =	sst s3  }
0xc: {  	[smem:$0x3FB2] =	sst s4  }
0xd: {  	[smem:$0x3FB3] =	sst s5  }
0xe: {  	[smem:$0x3FB4] =	sst s6  }
0xf: {  	[smem:$0x3FB5] =	sst s7  }
0x10: {  	[smem:$0x3FB6] =	sst s8  }
0x11: {  	[smem:$0x3FB7] =	sst s9;
	s0 =	simm.s32 @!p0 $0x0  }
0x12: {  	s1 =	sld [smem:$0x3F9D];
	s0 =	simm.s32 @p0 $0x1  }
0x13: {  	[smem:$0x3FB8] =	sst s0;
	s0 =	simm.s32 @!p1 $0x0  }
0x14: {  	s2 =	sld [smem:$0x3F9C];
	s0 =	simm.s32 @p1 $0x1  }
0x15: {  	[smem:$0x3FB9] =	sst s0;
	s0 =	simm.s32 @!p2 $0x0  }
0x16: {  	s3 =	sld [smem:$0x3FDB];
	s0 =	simm.s32 @p2 $0x1  }
0x17: {  	s4 =	simm.s32 $0x1BF5;
	[smem:$0x3FBB] =	sst s0  }
0x18: {  	s0 =	sld [smem:$0x3F9E];
	_ =	swait.ge [sflag:s4], $0x0  }
0x19: {  	s7 =	sld [smem:$0x3F9F]  }
0x1a: {  	s8 =	sadd.s32 $0xFFFFE003, lr  }
0x1b: {  	s9 =	sadd.s32 $0xFFFFFEF7, lr;
	s5 =	simm.s32 $0xFFFFFFFF;
	p2 =	slt.u32 s8, $0xFFFFF086  }
0x1c: {  	p1 =	slt.u32 s9, $0xF7A;
	s5 =	simm.s32 @!p2 $0x0  }
0x1d: {  	s5 =	simm.s32 @p1 $0x1;
	p0 =	seq.s32 s7, s2  }
0x1e: {  	s7 =	smul.u32 @!p0 $0xF7A, s2;
	p2 =	seq.s32 @!p0 s5, $0x0  }
0x1f: {  	s9 =	smul.u32 $0xF7A, s1;
	s8 =	simm.s32 @!p0 $0x1BF5;
	p2 =	por !p2, p0  }
0x20: {  	[sflag:s8] =	ssyncset.s32 @!p0 $0xFFFFF086;
	s6 =	sadd.s32 @!p0 s3, s7;
	s7 =	simm.s32 @!p0 $0x108  }
0x21: {  	s3 =	sadd.s32 s3, s9;
	s6 =	sadd.s32 @!p0 $0x88, s6;
	s7 =	simm.s32 @p2 $0x1082  }
0x22: {  	[simem:s7], [sflag:s8] =	dma.local @!p0 [hbm:s6], $0xF7A  }
0x23: {  	s9 =	sor.u32 $0xD0000000, s2;
	s6 =	simm.s32 $0x108;
	_ =	swait.ge @!p0 [sflag:s8], $0x0  }
0x24: {  	s3 =	sadd.s32 $0x88, s3;
	s6 =	simm.s32 @!p1 $0x1082;
	[sflag:s4] =	ssyncset.s32 $0xFFFFF086  }
0x25: {  	[simem:s6], [sflag:s4] =	dma.local [hbm:s3], $0xF7A  }
0x26: {  	[smem:$0x3F9F] =	sst s1;
	(tag) =	ssettag s2;
	_ =	strace s9  }
0x27: {  	s1 =	sld [smem:$0x3FAF]  }
0x28: {  	s2 =	sld [smem:$0x3FB0]  }
0x29: {  	s4 =	sld [smem:$0x3FB2]  }
0x2a: {  	p0 =	seq.s32 s5, $0x0;
	s5 =	sld [smem:$0x3FB3]  }
0x2b: {  	s6 =	sld [smem:$0x3FB4]  }
0x2c: {  	s7 =	sld [smem:$0x3FB5]  }
0x2d: {  	s3 =	simm.s32 $0x108;
	s8 =	sld [smem:$0x3FB6]  }
0x2e: {  	s3 =	simm.s32 @!p0 $0x1082;
	s9 =	sld [smem:$0x3FB7]  }
0x2f: {  	lr =	sadd.s32 s0, s3;
	s0 =	sld [smem:$0x3FAE]  }
0x30: {  	s3 =	sld [smem:$0x3FB1]  }
0x31: {  	[smem:$0x3FBA] =	sst s10  }
0x32: {  	s10 =	sld [smem:$0x3FB8];
	_ =	sdelay $0x3  }
0x33: {  	p0 =	seq.s32 s10, $0x1;
	s10 =	sld [smem:$0x3FBA];
	_ =	sdelay $0x3  }
0x34: {  	[smem:$0x3FBA] =	sst s10  }
0x35: {  	s10 =	sld [smem:$0x3FB9];
	_ =	sdelay $0x3  }
0x36: {  	p1 =	seq.s32 s10, $0x1;
	s10 =	sld [smem:$0x3FBA];
	_ =	sdelay $0x3  }
0x37: {  	[smem:$0x3FBA] =	sst s10  }
0x38: {  	s10 =	sld [smem:$0x3FBB]  }
0x39: {  	_ = 	snop;
	(pc) =	sbr.ind lr, $3  }
0x3a: {  	_ = 	snop  }
0x3b: {  	_ = 	snop  }
0x3c: {  	p2 =	seq.s32 s10, $0x1;
	s10 =	sld [smem:$0x3FBA]  }
0x3d: {  	_ =	shalt  }
0x3e: {  	_ =	shalt  }
0x3f: {  	_ =	shalt  }
0x40: {  	_ =	shalt  }
0x41: {  	_ =	shalt  }
0x42: {  	_ =	shalt  }
0x43: {  	_ =	shalt  }
0x44: {  	_ =	shalt  }
0x45: {  	_ =	shalt  }
0x46: {  	_ =	shalt  }
0x47: {  	_ =	shalt  }
0x48: {  	_ =	shalt  }
0x49: {  	_ =	shalt  }
0x4a: {  	_ =	shalt  }
0x4b: {  	_ =	shalt  }
0x4c: {  	_ =	shalt  }
0x4d: {  	_ =	shalt  }
0x4e: {  	_ =	shalt  }
0x4f: {  	_ =	shalt  }
0x50: {  	_ =	shalt  }
0x51: {  	_ =	shalt  }
0x52: {  	_ =	shalt  }
0x53: {  	_ =	shalt  }
0x54: {  	_ =	shalt  }
0x55: {  	_ =	shalt  }
0x56: {  	_ =	shalt  }
0x57: {  	_ =	shalt  }
0x58: {  	_ =	shalt  }
0x59: {  	_ =	shalt  }
0x5a: {  	_ =	shalt  }
0x5b: {  	_ =	shalt  }
0x5c: {  	_ =	shalt  }
0x5d: {  	_ =	shalt  }
0x5e: {  	_ =	shalt  }
0x5f: {  	_ =	shalt  }
0x60: {  	_ =	shalt  }
0x61: {  	_ =	shalt  }
0x62: {  	_ =	shalt  }
0x63: {  	_ =	shalt  }
0x64: {  	_ =	shalt  }
0x65: {  	_ =	shalt  }
0x66: {  	_ =	shalt  }
0x67: {  	_ =	shalt  }
0x68: {  	_ =	shalt  }
0x69: {  	_ =	shalt  }
0x6a: {  	_ =	shalt  }
0x6b: {  	_ =	shalt  }
0x6c: {  	_ =	shalt  }
0x6d: {  	_ =	shalt  }
0x6e: {  	_ =	shalt  }
0x6f: {  	_ =	shalt  }
0x70: {  	_ =	shalt  }
0x71: {  	_ =	shalt  }
0x72: {  	_ =	shalt  }
0x73: {  	_ =	shalt  }
0x74: {  	_ =	shalt  }
0x75: {  	_ =	shalt  }
0x76: {  	_ =	shalt  }
0x77: {  	_ =	shalt  }
0x78: {  	_ =	shalt  }
0x79: {  	_ =	shalt  }
0x7a: {  	_ =	shalt  }
0x7b: {  	_ =	shalt  }
0x7c: {  	_ =	shalt  }
0x7d: {  	_ =	shalt  }
0x7e: {  	_ =	shalt  }
0x7f: {  	_ =	shalt  }
0x80: {  	_ =	shalt  }
0x81: {  	_ =	shalt  }
0x82: {  	_ =	shalt  }
0x83: {  	_ =	shalt  }
0x84: {  	_ =	shalt  }
0x85: {  	_ =	shalt  }
0x86: {  	_ =	shalt  }
0x87: {  	_ =	shalt  }
.Lfunc_end0:
.L_simem_size_0:
called_computation_lowered:
.L_overlay_start_0:
0x88: {  	s2 =	sld [smem:$0x3FD9]  }
0x89: {  	s3 =	sld [smem:$0x3FFE];
	_ =	sdelay $0x1  }
0x8a: {  	s1 =	srdreg.scid  }
0x8b: {  	s0 =	sand.u32 $0x1, s1  }
0x8c: {  	s18 =	sshll.u32 s0, $0xA;
	s2 =	sadd.s32 s3, s2  }
0x8d: {  	s2 =	sadd.s32 s2, s18  }
0x8e: {  	[smem:$0x3FC6] =	sst s2  }
0x8f: {  	_ = 	snop  }
0x90: {  	s2 =	sld [smem:$0x3FC9]  }
0x91: {  	s19 =	sld [smem:$0x3FC8]  }
0x92: {  	s4 =	sld [smem:$0x3FD0];
	(tm) =	ssettm $0x1  }
0x93: {  	s5 =	sld [smem:$0x3FFB];
	_ =	sdelay $0x3  }
0x94: {  	_ =	strace s5  }
0x95: {  	s5 =	sld [smem:$0x3FFC];
	_ =	sdelay $0x3  }
0x96: {  	_ =	strace s5  }
0x97: {  	s5 =	sld [smem:$0x3FFD];
	_ =	sdelay $0x3  }
0x98: {  	_ =	strace s5  }
0x99: {  	_ =	strace $0x8FFFFFFF  }
0x9a: {  	s20 =	sld [smem:$0x3FDB];
	_ =	sdelay $0x1  }
0x9b: {  	s6 =	simm.s32 $_scs_section_size  }
0x9c: {  	s7 =	simm.s32 $_size__tile_overlayer_lowered;
	s8 =	simm.s32 $_tile_overlayer_lowered  }
0x9d: {  	s23 =	simm.s32 $0x1BFF;
	s22 =	sshll.u32 s8, $0x1;
	s5 =	sadd.s32 s6, s20  }
0x9e: {  	s9 =	simm.s32 $0x0;
	s21 =	sshll.u32 s7, $0x1;
	s7 =	sadd.s32 s22, s5  }
0x9f: {  	[timem:s9], [sflag:s23] =	dma.local [hbm:s7], s21  }
0xa0: {  	_ =	swait.ge [sflag:s23], s21  }
0xa1: {  	s6 =	ssub.s32 $0x0, s21;
	[sflag:s23] =	ssyncset.done $0x0  }
0xa2: {  	[sflag:s23] =	ssyncadd.s32 s6;
	_ =	sdelay $0x1  }
0xa3: {  	s24 =	simm.s32 $0x1B8B  }
0xa4: {  	_ =	swait.ge [sflag:s24], $0x1  }
0xa5: {  	[sflag:s24] =	ssyncset.done $0x0  }
0xa6: {  	s25 =	simm.s32 $0x1B8E;
	[sflag:s24] =	ssyncadd.s32 $0xFFFFFFFF  }
0xa7: {  	s26 =	simm.s32 $execute0_lowered;
	[smem:$0x3FD2] =	sst s25  }
0xa8: {  	s6 =	sshll.u32 s26, $0x1;
	_ =	strace $0x80000046;
	[dreg:$0x1] =	wrdreg $0xFFFFFFFF  }
0xa9: {  	s28 =	simm.s32 $_size_execute0_lowered;
	s5 =	sadd.s32 s5, s6;
	[dreg:$0x0] =	wrdreg $0x0  }
0xaa: {  	s6 =	sshll.u32 s28, $0x1;
	[dreg:$0x2] =	wrdreg s5  }
0xab: {  	[dreg:$0x3] =	wrdreg s6  }
0xac: {  	[dreg:$0x4] =	wrdreg $0xC0  }
0xad: {  	_ =	task [dreg:s9], $0x5FFFF  }
0xae: {  	[dreg:$0x1] =	wrdreg $0xFFFFFFFF  }
0xaf: {  	[dreg:$0x0] =	wrdreg $0x60  }
0xb0: {  	[dreg:$0x2] =	wrdreg s2  }
0xb1: {  	[dreg:$0x3] =	wrdreg s19  }
0xb2: {  	[dreg:$0x4] =	wrdreg s4  }
0xb3: {  	[dreg:$0x5] =	wrdreg $0x9  }
0xb4: {  	_ =	task.clear_ibuf [dreg:s9], $0x6FFFF;
	_ =	strace $0x90000046  }
0xb5: {  	s29 =	simm.s32 $0x9;
	_ =	strace $0x80000048  }
0xb6: {  	_ =	swait.ge [sflag:s29], $0x1  }
0xb7: {  	[sflag:s29] =	ssyncadd.s32 $0xFFFFFFFF  }
0xb8: {  	_ =	strace $0x90000048  }
0xb9: {  	_ =	sfence  }
0xba: {  	s30 =	sld [smem:$0x0];
	_ =	sdelay $0x2  }
0xbb: {  	s31 =	sshll.u32 s1, $0xD;
	s1 =	sshrl.u32 s1, $0x2  }
0xbc: {  	s3 =	sand.u32 $0x4000, s31;
	s1 =	sadd.s32 s1, s30  }
0xbd: {  	s0 =	sor.u32 s3, s0;
	s1 =	sshll.u32 s1, $0x11  }
0xbe: {  	s0 =	sor.u32 s1, s0  }
0xbf: {  	s0 =	sadd.s32 $0x8F2B, s0  }
0xc0: {  	[sflag:s0] =	ssyncadd.remote.s32 $0x1  }
0xc1: {  	_ =	sfence.sel $0xFFFF  }
0xc2: {  	[dreg:$0x0] =	wrdreg $0xFFFFFFFF;
	(pc) =	sbr.abs _section_cstart, $3  }
0xc3: {  	[dreg:$0x1] =	wrdreg $0xFFFFFFFF  }
0xc4: {  	_ =	task.clear_ibuf [dreg:s9], $0x2FFFF;
	_ =	strace $0x9FFFFFFF  }
0xc5: {  	(tm) =	ssettm $0x7FFFFFFF  }
tec
execute0_lowered:
.L_overlay_start_1:
0x0: {  	(tag) =	ssettag $0x1  }
0x1: {  	s0 =	srdreg.scid  }
0x2: {  	s3 =	stileid.u32;
	s0 =	sand.u32 $0x1, s0  }
0x3: {  	s1 =	rddreg [dreg:$0x0];
	s5 =	sshll.u32 s3, $0x9;
	s6 =	sshll.u32 s0, $0x8  }
0x4: {  	s2 =	rddreg [dreg:$0x1];
	s5 =	sor.u32 s6, s5  }
0x5: {  	s4 =	rddreg [dreg:$0x2];
	s3 =	simm.s32 $0x0;
	s6 =	sshrl.u32 s5, $0x3  }
0x6: {  	[smem:$0x7FF] =	sst s3;
	s5 =	sshll.u32 s5, $0x7;
	s2 =	sadd.s32 s2, s6  }
0x7: {  	_ =	strace $0x80000047;
	s10 =	sadd.s32 s4, s5;
	[dreg:$0x4] =	wrdreg s2  }
0x8: {  	s11 =	sadd.s32 $0x800, s10;
	[dreg:$0x14] =	wrdreg s10  }
0x9: {  	s12 =	sadd.s32 $0x1000, s10;
	[dreg:$0x5] =	wrdreg s11  }
0xa: {  	s30 =	simm.s32 $0x2;
	s13 =	sadd.s32 $0x1800, s10;
	[dreg:$0x6] =	wrdreg s12  }
0xb: {  	s9 =	simm.s32 $0x8;
	s14 =	sadd.s32 $0x2000, s10;
	[dreg:$0x7] =	wrdreg s13  }
0xc: {  	s28 =	simm.s32 $0x8900;
	s15 =	sadd.s32 $0x2800, s10;
	[dreg:$0x8] =	wrdreg s14  }
0xd: {  	s29 =	simm.s32 $0xB900;
	s16 =	sadd.s32 $0x3000, s10;
	[dreg:$0x9] =	wrdreg s15  }
0xe: {  	s31 =	simm.s32 $0xC100;
	s17 =	sadd.s32 $0x3800, s10;
	[dreg:$0xa] =	wrdreg s16  }
0xf: {  	s7 =	sadd.s32 $0x300, s1;
	s18 =	sadd.s32 $0x4000, s10;
	[dreg:$0xb] =	wrdreg s17  }
0x10: {  	s0 =	ssub.s32 $0x2, s0;
	s19 =	sadd.s32 $0x4800, s10;
	[dreg:$0xc] =	wrdreg s18  }
0x11: {  	s23 =	sshrl.u32 s0, $0x1;
	s20 =	sadd.s32 $0x5000, s10;
	[dreg:$0xd] =	wrdreg s19  }
0x12: {  	s0 =	ssub.s32 s0, s23;
	s21 =	sadd.s32 $0x5800, s10;
	[dreg:$0xe] =	wrdreg s20  }
0x13: {  	s5 =	sadd.s32 $0x100, s1;
	s22 =	sadd.s32 $0x6000, s10;
	[dreg:$0xf] =	wrdreg s21  }
0x14: {  	s6 =	sadd.s32 $0x200, s1;
	s24 =	sadd.s32 $0x6800, s10;
	[dreg:$0x10] =	wrdreg s22  }
0x15: {  	s8 =	smax.u32 s0, $0x1;
	s25 =	sadd.s32 $0x7000, s10;
	[dreg:$0x11] =	wrdreg s24  }
0x16: {  	s26 =	sadd.s32 $0x7800, s10;
	s10 =	simm.s32 $0x4100;
	[dreg:$0x12] =	wrdreg s25  }
0x17: {  	v2 =	vlaneseq.u32;
	[dreg:$0x13] =	wrdreg s26;
	s17 =	simm.s32 $0x1;
	s12 =	simm.s32 $0x9  }
0x18: {  	vm0 =	vmmov $0xffff;
	v1 =	vshrl.u32 v2, $0x3;
	s11 =	simm.s32 $0x100;
	s15 =	simm.s32 $0x8100;
	s26 =	simm.s32 $0xB100  }
0x19: {  	v0 =	vand.u32 $0x7, v2;
	v2 =	vor.u32 $0x8, v2;
	v1 =	vmul.u32 $0x8, v1;
	s20 =	simm.s32 $0x10100;
	s16 =	simm.s32 $0x14100;
	s13 =	simm.s32 $0x18100  }
.LBB2_1:
0x1a: {  	s22 =	rddreg [dreg:$0x4];
	s21 =	simm.s32 $0xF  }
0x1b: {  	[tilespmem:s3], [sflag:$0xF] =	stream.linear.gather [hbm4b:s22+s3], $0x100, $0x38;
	[tilespmem:$0x1C100] =	vst v63  }
0x1c: {  	_ =	swait.ge [sflag:s21], $0x100  }
0x1d: {  	[sflag:s21] =	ssyncset.done $0x0  }
0x1e: {  	[sflag:s21] =	ssyncadd.s32 $0xFFFFFF00  }
0x1f: {  	v3 =	vld [tilespmem:$0x0];
	_ =	sdelay $0x4  }
0x20: {  	v4 =	vshll.u32 v3, $0x3  }
0x21: {  	v3 =	vand.u32 $0x7, v3;
	v4 =	vand.u32 $0xFFFFFFC0, v4  }
0x22: {  	v3 =	vor.u32 v3, v4  }
0x23: {  	v4 =	vperm.xlane v3, v0;
	_ =	sdelay $0x1  }
0x24: {  	v4 =	vadd.s32 v1, v4;
	_ =	sdelay $0x4  }
0x25: {  	[tilespmem:s11], [sflag:$0x1] =	stream.indirect_vreg.gather [hbm4b:s1+s3], $0x80, v4, vm0, $0xb8;
	[tilespmem:$0x1C100] =	vst v63  }
0x26: {  	s0 =	simm.s32 $0x900;
	v3 =	vperm.xlane v3, v2  }
0x27: {  	[tilespmem:s0], [sflag:$0x1] =	stream.indirect_vreg.gather [hbm4b:s5+s3], $0x80, v4, vm0, $0xb8;
	[tilespmem:$0x1C100] =	vst v63  }
0x28: {  	s22 =	simm.s32 $0x1100;
	v3 =	vadd.s32 v1, v3  }
0x29: {  	[tilespmem:s22], [sflag:$0x1] =	stream.indirect_vreg.gather [hbm4b:s6+s3], $0x80, v4, vm0, $0xb8;
	[tilespmem:$0x1C100] =	vst v63  }
0x2a: {  	s23 =	simm.s32 $0x1900  }
0x2b: {  	[tilespmem:s23], [sflag:$0x1] =	stream.indirect_vreg.gather [hbm4b:s7+s3], $0x80, v4, vm0, $0xb8;
	[tilespmem:$0x1C100] =	vst v63  }
0x2c: {  	s24 =	simm.s32 $0x2100  }
0x2d: {  	[tilespmem:s24], [sflag:$0x1] =	stream.indirect_vreg.gather [hbm4b:s1+s3], $0x80, v3, vm0, $0xb8;
	[tilespmem:$0x1C100] =	vst v63  }
0x2e: {  	s25 =	simm.s32 $0x2900  }
0x2f: {  	[tilespmem:s25], [sflag:$0x1] =	stream.indirect_vreg.gather [hbm4b:s5+s3], $0x80, v3, vm0, $0xb8;
	[tilespmem:$0x1C100] =	vst v63  }
0x30: {  	s4 =	simm.s32 $0x3100  }
0x31: {  	[tilespmem:s4], [sflag:$0x1] =	stream.indirect_vreg.gather [hbm4b:s6+s3], $0x80, v3, vm0, $0xb8;
	[tilespmem:$0x1C100] =	vst v63  }
0x32: {  	s18 =	simm.s32 $0x3900  }
0x33: {  	[tilespmem:s18], [sflag:$0x1] =	stream.indirect_vreg.gather [hbm4b:s7+s3], $0x80, v3, vm0, $0xb8;
	[tilespmem:$0x1C100] =	vst v63  }
0x34: {  	v3 =	vld [tilespmem:$0x10];
	_ =	sdelay $0x4  }
0x35: {  	v49 =	vshll.u32 v3, $0x3  }
0x36: {  	v3 =	vand.u32 $0x7, v3;
	v4 =	vand.u32 $0xFFFFFFC0, v49  }
0x37: {  	v3 =	vor.u32 v3, v4  }
0x38: {  	v4 =	vperm.xlane v3, v0;
	_ =	sdelay $0x1  }
0x39: {  	v4 =	vadd.s32 v1, v4;
	_ =	sdelay $0x4  }
0x3a: {  	[tilespmem:s10], [sflag:$0x2] =	stream.indirect_vreg.gather [hbm4b:s1+s3], $0x80, v4, vm0, $0xb8;
	[tilespmem:$0x1C100] =	vst v63  }
0x3b: {  	s19 =	simm.s32 $0x4900;
	v3 =	vperm.xlane v3, v2  }
0x3c: {  	[tilespmem:s19], [sflag:$0x2] =	stream.indirect_vreg.gather [hbm4b:s5+s3], $0x80, v4, vm0, $0xb8;
	[tilespmem:$0x1C100] =	vst v63  }
0x3d: {  	s21 =	simm.s32 $0x5100;
	v3 =	vadd.s32 v1, v3  }
0x3e: {  	[tilespmem:s21], [sflag:$0x2] =	stream.indirect_vreg.gather [hbm4b:s6+s3], $0x80, v4, vm0, $0xb8;
	[tilespmem:$0x1C100] =	vst v63  }
0x3f: {  	s22 =	simm.s32 $0x5900  }
0x40: {  	[tilespmem:s22], [sflag:$0x2] =	stream.indirect_vreg.gather [hbm4b:s7+s3], $0x80, v4, vm0, $0xb8;
	[tilespmem:$0x1C100] =	vst v63  }
0x41: {  	s23 =	simm.s32 $0x6100  }
0x42: {  	[tilespmem:s23], [sflag:$0x2] =	stream.indirect_vreg.gather [hbm4b:s1+s3], $0x80, v3, vm0, $0xb8;
	[tilespmem:$0x1C100] =	vst v63  }
0x43: {  	s24 =	simm.s32 $0x6900  }
0x44: {  	[tilespmem:s24], [sflag:$0x2] =	stream.indirect_vreg.gather [hbm4b:s5+s3], $0x80, v3, vm0, $0xb8;
	[tilespmem:$0x1C100] =	vst v63  }
0x45: {  	s25 =	simm.s32 $0x7100  }
0x46: {  	[tilespmem:s25], [sflag:$0x2] =	stream.indirect_vreg.gather [hbm4b:s6+s3], $0x80, v3, vm0, $0xb8;
	[tilespmem:$0x1C100] =	vst v63  }
0x47: {  	s18 =	simm.s32 $0x7900  }
0x48: {  	[tilespmem:s18], [sflag:$0x2] =	stream.indirect_vreg.gather [hbm4b:s7+s3], $0x80, v3, vm0, $0xb8;
	[tilespmem:$0x1C100] =	vst v63  }
0x49: {  	v3 =	vld [tilespmem:$0x20];
	_ =	sdelay $0x4  }
0x4a: {  	v50 =	vshll.u32 v3, $0x3  }
0x4b: {  	v3 =	vand.u32 $0x7, v3;
	v4 =	vand.u32 $0xFFFFFFC0, v50  }
0x4c: {  	v3 =	vor.u32 v3, v4  }
0x4d: {  	v4 =	vperm.xlane v3, v0;
	_ =	sdelay $0x1  }
0x4e: {  	v4 =	vadd.s32 v1, v4;
	_ =	sdelay $0x4  }
0x4f: {  	[tilespmem:s15], [sflag:$0x3] =	stream.indirect_vreg.gather [hbm4b:s1+s3], $0x80, v4, vm0, $0xb8;
	[tilespmem:$0x1C100] =	vst v63  }
0x50: {  	v3 =	vperm.xlane v3, v2  }
0x51: {  	[tilespmem:s28], [sflag:$0x3] =	stream.indirect_vreg.gather [hbm4b:s5+s3], $0x80, v4, vm0, $0xb8;
	[tilespmem:$0x1C100] =	vst v63  }
0x52: {  	s18 =	simm.s32 $0x9100;
	v3 =	vadd.s32 v1, v3  }
0x53: {  	[tilespmem:s18], [sflag:$0x3] =	stream.indirect_vreg.gather [hbm4b:s6+s3], $0x80, v4, vm0, $0xb8;
	[tilespmem:$0x1C100] =	vst v63  }
0x54: {  	s23 =	simm.s32 $0x9900  }
0x55: {  	[tilespmem:s23], [sflag:$0x3] =	stream.indirect_vreg.gather [hbm4b:s7+s3], $0x80, v4, vm0, $0xb8;
	[tilespmem:$0x1C100] =	vst v63  }
0x56: {  	s24 =	simm.s32 $0xA100  }
0x57: {  	[tilespmem:s24], [sflag:$0x3] =	stream.indirect_vreg.gather [hbm4b:s1+s3], $0x80, v3, vm0, $0xb8;
	[tilespmem:$0x1C100] =	vst v63  }
0x58: {  	s25 =	simm.s32 $0xA900  }
0x59: {  	[tilespmem:s25], [sflag:$0x3] =	stream.indirect_vreg.gather [hbm4b:s5+s3], $0x80, v3, vm0, $0xb8;
	[tilespmem:$0x1C100] =	vst v63  }
0x5a: {  	_ = 	snop  }
0x5b: {  	[tilespmem:s26], [sflag:$0x3] =	stream.indirect_vreg.gather [hbm4b:s6+s3], $0x80, v3, vm0, $0xb8;
	[tilespmem:$0x1C100] =	vst v63  }
0x5c: {  	_ = 	snop  }
0x5d: {  	[tilespmem:s29], [sflag:$0x3] =	stream.indirect_vreg.gather [hbm4b:s7+s3], $0x80, v3, vm0, $0xb8;
	[tilespmem:$0x1C100] =	vst v63  }
0x5e: {  	v3 =	vld [tilespmem:$0x30];
	_ =	sdelay $0x4  }
0x5f: {  	v51 =	vshll.u32 v3, $0x3  }
0x60: {  	v3 =	vand.u32 $0x7, v3;
	v4 =	vand.u32 $0xFFFFFFC0, v51  }
0x61: {  	v3 =	vor.u32 v3, v4  }
0x62: {  	v4 =	vperm.xlane v3, v0;
	_ =	sdelay $0x1  }
0x63: {  	v4 =	vadd.s32 v1, v4;
	_ =	sdelay $0x4  }
0x64: {  	[tilespmem:s31], [sflag:$0x4] =	stream.indirect_vreg.gather [hbm4b:s1+s3], $0x80, v4, vm0, $0xb8;
	[tilespmem:$0x1C100] =	vst v63  }
0x65: {  	s21 =	simm.s32 $0xC900;
	v3 =	vperm.xlane v3, v2  }
0x66: {  	[tilespmem:s21], [sflag:$0x4] =	stream.indirect_vreg.gather [hbm4b:s5+s3], $0x80, v4, vm0, $0xb8;
	[tilespmem:$0x1C100] =	vst v63  }
0x67: {  	s19 =	simm.s32 $0xD100;
	v3 =	vadd.s32 v1, v3  }
0x68: {  	[tilespmem:s19], [sflag:$0x4] =	stream.indirect_vreg.gather [hbm4b:s6+s3], $0x80, v4, vm0, $0xb8;
	[tilespmem:$0x1C100] =	vst v63  }
0x69: {  	s22 =	simm.s32 $0xD900  }
0x6a: {  	[tilespmem:s22], [sflag:$0x4] =	stream.indirect_vreg.gather [hbm4b:s7+s3], $0x80, v4, vm0, $0xb8;
	[tilespmem:$0x1C100] =	vst v63  }
0x6b: {  	s19 =	simm.s32 $0xE100  }
0x6c: {  	[tilespmem:s19], [sflag:$0x4] =	stream.indirect_vreg.gather [hbm4b:s1+s3], $0x80, v3, vm0, $0xb8;
	[tilespmem:$0x1C100] =	vst v63  }
0x6d: {  	s22 =	simm.s32 $0xE900  }
0x6e: {  	[tilespmem:s22], [sflag:$0x4] =	stream.indirect_vreg.gather [hbm4b:s5+s3], $0x80, v3, vm0, $0xb8;
	[tilespmem:$0x1C100] =	vst v63  }
0x6f: {  	s19 =	simm.s32 $0xF100  }
0x70: {  	[tilespmem:s19], [sflag:$0x4] =	stream.indirect_vreg.gather [hbm4b:s6+s3], $0x80, v3, vm0, $0xb8;
	[tilespmem:$0x1C100] =	vst v63  }
0x71: {  	s19 =	simm.s32 $0xF900  }
0x72: {  	[tilespmem:s19], [sflag:$0x4] =	stream.indirect_vreg.gather [hbm4b:s7+s3], $0x80, v3, vm0, $0xb8;
	[tilespmem:$0x1C100] =	vst v63  }
0x73: {  	v3 =	vld [tilespmem:$0x40];
	_ =	sdelay $0x4  }
0x74: {  	v52 =	vshll.u32 v3, $0x3  }
0x75: {  	v3 =	vand.u32 $0x7, v3;
	v4 =	vand.u32 $0xFFFFFFC0, v52  }
0x76: {  	v3 =	vor.u32 v3, v4  }
0x77: {  	v4 =	vperm.xlane v3, v0;
	_ =	sdelay $0x1  }
0x78: {  	v4 =	vadd.s32 v1, v4;
	_ =	sdelay $0x4  }
0x79: {  	[tilespmem:s20], [sflag:$0x5] =	stream.indirect_vreg.gather [hbm4b:s1+s3], $0x80, v4, vm0, $0xb8;
	[tilespmem:$0x1C100] =	vst v63  }
0x7a: {  	s22 =	simm.s32 $0x10900;
	v3 =	vperm.xlane v3, v2  }
0x7b: {  	[tilespmem:s22], [sflag:$0x5] =	stream.indirect_vreg.gather [hbm4b:s5+s3], $0x80, v4, vm0, $0xb8;
	[tilespmem:$0x1C100] =	vst v63  }
0x7c: {  	v3 =	vadd.s32 v1, v3;
	s22 =	simm.s32 $0x11100  }
0x7d: {  	[tilespmem:s22], [sflag:$0x5] =	stream.indirect_vreg.gather [hbm4b:s6+s3], $0x80, v4, vm0, $0xb8;
	[tilespmem:$0x1C100] =	vst v63  }
0x7e: {  	s22 =	simm.s32 $0x11900  }
0x7f: {  	[tilespmem:s22], [sflag:$0x5] =	stream.indirect_vreg.gather [hbm4b:s7+s3], $0x80, v4, vm0, $0xb8;
	[tilespmem:$0x1C100] =	vst v63  }
0x80: {  	s22 =	simm.s32 $0x12100  }
0x81: {  	[tilespmem:s22], [sflag:$0x5] =	stream.indirect_vreg.gather [hbm4b:s1+s3], $0x80, v3, vm0, $0xb8;
	[tilespmem:$0x1C100] =	vst v63  }
0x82: {  	s22 =	simm.s32 $0x12900  }
0x83: {  	[tilespmem:s22], [sflag:$0x5] =	stream.indirect_vreg.gather [hbm4b:s5+s3], $0x80, v3, vm0, $0xb8;
	[tilespmem:$0x1C100] =	vst v63  }
0x84: {  	s22 =	simm.s32 $0x13100  }
0x85: {  	[tilespmem:s22], [sflag:$0x5] =	stream.indirect_vreg.gather [hbm4b:s6+s3], $0x80, v3, vm0, $0xb8;
	[tilespmem:$0x1C100] =	vst v63  }
0x86: {  	s22 =	simm.s32 $0x13900  }
0x87: {  	[tilespmem:s22], [sflag:$0x5] =	stream.indirect_vreg.gather [hbm4b:s7+s3], $0x80, v3, vm0, $0xb8;
	[tilespmem:$0x1C100] =	vst v63  }
0x88: {  	v3 =	vld [tilespmem:$0x50];
	_ =	sdelay $0x4  }
0x89: {  	v53 =	vshll.u32 v3, $0x3  }
0x8a: {  	v3 =	vand.u32 $0x7, v3;
	v4 =	vand.u32 $0xFFFFFFC0, v53  }
0x8b: {  	v3 =	vor.u32 v3, v4  }
0x8c: {  	v4 =	vperm.xlane v3, v0;
	_ =	sdelay $0x1  }
0x8d: {  	v4 =	vadd.s32 v1, v4;
	_ =	sdelay $0x4  }
0x8e: {  	[tilespmem:s16], [sflag:$0x6] =	stream.indirect_vreg.gather [hbm4b:s1+s3], $0x80, v4, vm0, $0xb8;
	[tilespmem:$0x1C100] =	vst v63  }
0x8f: {  	s22 =	simm.s32 $0x14900;
	v3 =	vperm.xlane v3, v2  }
0x90: {  	[tilespmem:s22], [sflag:$0x6] =	stream.indirect_vreg.gather [hbm4b:s5+s3], $0x80, v4, vm0, $0xb8;
	[tilespmem:$0x1C100] =	vst v63  }
0x91: {  	v3 =	vadd.s32 v1, v3;
	s22 =	simm.s32 $0x15100  }
0x92: {  	[tilespmem:s22], [sflag:$0x6] =	stream.indirect_vreg.gather [hbm4b:s6+s3], $0x80, v4, vm0, $0xb8;
	[tilespmem:$0x1C100] =	vst v63  }
0x93: {  	s22 =	simm.s32 $0x15900  }
0x94: {  	[tilespmem:s22], [sflag:$0x6] =	stream.indirect_vreg.gather [hbm4b:s7+s3], $0x80, v4, vm0, $0xb8;
	[tilespmem:$0x1C100] =	vst v63  }
0x95: {  	s22 =	simm.s32 $0x16100  }
0x96: {  	[tilespmem:s22], [sflag:$0x6] =	stream.indirect_vreg.gather [hbm4b:s1+s3], $0x80, v3, vm0, $0xb8;
	[tilespmem:$0x1C100] =	vst v63  }
0x97: {  	s22 =	simm.s32 $0x16900  }
0x98: {  	[tilespmem:s22], [sflag:$0x6] =	stream.indirect_vreg.gather [hbm4b:s5+s3], $0x80, v3, vm0, $0xb8;
	[tilespmem:$0x1C100] =	vst v63  }
0x99: {  	s22 =	simm.s32 $0x17100  }
0x9a: {  	[tilespmem:s22], [sflag:$0x6] =	stream.indirect_vreg.gather [hbm4b:s6+s3], $0x80, v3, vm0, $0xb8;
	[tilespmem:$0x1C100] =	vst v63  }
0x9b: {  	s22 =	simm.s32 $0x17900  }
0x9c: {  	[tilespmem:s22], [sflag:$0x6] =	stream.indirect_vreg.gather [hbm4b:s7+s3], $0x80, v3, vm0, $0xb8;
	[tilespmem:$0x1C100] =	vst v63  }
0x9d: {  	v3 =	vld [tilespmem:$0x60];
	_ =	sdelay $0x4  }
0x9e: {  	v54 =	vshll.u32 v3, $0x3  }
0x9f: {  	v3 =	vand.u32 $0x7, v3;
	v4 =	vand.u32 $0xFFFFFFC0, v54  }
0xa0: {  	v3 =	vor.u32 v3, v4  }
0xa1: {  	v4 =	vperm.xlane v3, v0;
	_ =	sdelay $0x1  }
0xa2: {  	v4 =	vadd.s32 v1, v4;
	_ =	sdelay $0x4  }
0xa3: {  	[tilespmem:s13], [sflag:$0x7] =	stream.indirect_vreg.gather [hbm4b:s1+s3], $0x80, v4, vm0, $0xb8;
	[tilespmem:$0x1C100] =	vst v63  }
0xa4: {  	s22 =	simm.s32 $0x18900;
	v3 =	vperm.xlane v3, v2  }
0xa5: {  	[tilespmem:s22], [sflag:$0x7] =	stream.indirect_vreg.gather [hbm4b:s5+s3], $0x80, v4, vm0, $0xb8;
	[tilespmem:$0x1C100] =	vst v63  }
0xa6: {  	v3 =	vadd.s32 v1, v3;
	s22 =	simm.s32 $0x19100  }
0xa7: {  	[tilespmem:s22], [sflag:$0x7] =	stream.indirect_vreg.gather [hbm4b:s6+s3], $0x80, v4, vm0, $0xb8;
	[tilespmem:$0x1C100] =	vst v63  }
0xa8: {  	s22 =	simm.s32 $0x19900  }
0xa9: {  	[tilespmem:s22], [sflag:$0x7] =	stream.indirect_vreg.gather [hbm4b:s7+s3], $0x80, v4, vm0, $0xb8;
	[tilespmem:$0x1C100] =	vst v63  }
0xaa: {  	s22 =	simm.s32 $0x1A100  }
0xab: {  	[tilespmem:s22], [sflag:$0x7] =	stream.indirect_vreg.gather [hbm4b:s1+s3], $0x80, v3, vm0, $0xb8;
	[tilespmem:$0x1C100] =	vst v63  }
0xac: {  	s22 =	simm.s32 $0x1A900  }
0xad: {  	[tilespmem:s22], [sflag:$0x7] =	stream.indirect_vreg.gather [hbm4b:s5+s3], $0x80, v3, vm0, $0xb8;
	[tilespmem:$0x1C100] =	vst v63  }
0xae: {  	s22 =	simm.s32 $0x1B100  }
0xaf: {  	[tilespmem:s22], [sflag:$0x7] =	stream.indirect_vreg.gather [hbm4b:s6+s3], $0x80, v3, vm0, $0xb8;
	[tilespmem:$0x1C100] =	vst v63  }
0xb0: {  	s22 =	simm.s32 $0x1B900  }
0xb1: {  	[tilespmem:s22], [sflag:$0x7] =	stream.indirect_vreg.gather [hbm4b:s7+s3], $0x80, v3, vm0, $0xb8;
	[tilespmem:$0x1C100] =	vst v63  }
0xb2: {  	_ =	swait.ge [sflag:s17], $0x4000  }
0xb3: {  	[sflag:s17] =	ssyncset.done $0x0  }
0xb4: {  	s0 =	rddreg [dreg:$0x14];
	[sflag:s17] =	ssyncadd.s32 $0xFFFFC000  }
0xb5: {  	[hbm4b:s0+s3] =	stream.linear.scatter [tilespmem:s11], [sflag:$0x8], $0x4000, $0x38;
	[tilespmem:$0x1C100] =	vst v63  }
0xb6: {  	_ =	swait.ge [sflag:s30], $0x4000  }
0xb7: {  	[sflag:s30] =	ssyncset.done $0x0  }
0xb8: {  	s0 =	rddreg [dreg:$0x5];
	[sflag:s30] =	ssyncadd.s32 $0xFFFFC000  }
0xb9: {  	[hbm4b:s0+s3] =	stream.linear.scatter [tilespmem:s10], [sflag:$0x9], $0x4000, $0x38;
	[tilespmem:$0x1C100] =	vst v63  }
0xba: {  	s0 =	simm.s32 $0x3  }
0xbb: {  	_ =	swait.ge [sflag:s0], $0x4000  }
0xbc: {  	[sflag:s0] =	ssyncset.done $0x0  }
0xbd: {  	s22 =	rddreg [dreg:$0x6];
	[sflag:s0] =	ssyncadd.s32 $0xFFFFC000  }
0xbe: {  	[hbm4b:s22+s3] =	stream.linear.scatter [tilespmem:s15], [sflag:$0xA], $0x4000, $0x38;
	[tilespmem:$0x1C100] =	vst v63  }
0xbf: {  	_ =	swait.ge [sflag:s9], $0x4000  }
0xc0: {  	[sflag:s9] =	ssyncset.done $0x0  }
0xc1: {  	[sflag:s9] =	ssyncadd.s32 $0xFFFFC000  }
0xc2: {  	v3 =	vld [tilespmem:$0x70];
	_ =	sdelay $0x4  }
0xc3: {  	v55 =	vshll.u32 v3, $0x3  }
0xc4: {  	v3 =	vand.u32 $0x7, v3;
	v4 =	vand.u32 $0xFFFFFFC0, v55  }
0xc5: {  	v3 =	vor.u32 v3, v4  }
0xc6: {  	v4 =	vperm.xlane v3, v0;
	_ =	sdelay $0x1  }
0xc7: {  	v4 =	vadd.s32 v1, v4;
	_ =	sdelay $0x4  }
0xc8: {  	[tilespmem:s11], [sflag:$0x1] =	stream.indirect_vreg.gather [hbm4b:s1+s3], $0x80, v4, vm0, $0xb8;
	[tilespmem:$0x1C100] =	vst v63  }
0xc9: {  	s2 =	simm.s32 $0x900;
	v3 =	vperm.xlane v3, v2  }
0xca: {  	[tilespmem:s2], [sflag:$0x1] =	stream.indirect_vreg.gather [hbm4b:s5+s3], $0x80, v4, vm0, $0xb8;
	[tilespmem:$0x1C100] =	vst v63  }
0xcb: {  	s22 =	simm.s32 $0x1100;
	v3 =	vadd.s32 v1, v3  }
0xcc: {  	[tilespmem:s22], [sflag:$0x1] =	stream.indirect_vreg.gather [hbm4b:s6+s3], $0x80, v4, vm0, $0xb8;
	[tilespmem:$0x1C100] =	vst v63  }
0xcd: {  	s22 =	simm.s32 $0x1900  }
0xce: {  	[tilespmem:s22], [sflag:$0x1] =	stream.indirect_vreg.gather [hbm4b:s7+s3], $0x80, v4, vm0, $0xb8;
	[tilespmem:$0x1C100] =	vst v63  }
0xcf: {  	s14 =	simm.s32 $0x2100  }
0xd0: {  	[tilespmem:s14], [sflag:$0x1] =	stream.indirect_vreg.gather [hbm4b:s1+s3], $0x80, v3, vm0, $0xb8;
	[tilespmem:$0x1C100] =	vst v63  }
0xd1: {  	s14 =	simm.s32 $0x2900  }
0xd2: {  	[tilespmem:s14], [sflag:$0x1] =	stream.indirect_vreg.gather [hbm4b:s5+s3], $0x80, v3, vm0, $0xb8;
	[tilespmem:$0x1C100] =	vst v63  }
0xd3: {  	s22 =	simm.s32 $0x3100  }
0xd4: {  	[tilespmem:s22], [sflag:$0x1] =	stream.indirect_vreg.gather [hbm4b:s6+s3], $0x80, v3, vm0, $0xb8;
	[tilespmem:$0x1C100] =	vst v63  }
0xd5: {  	s4 =	simm.s32 $0x3900;
	s2 =	simm.s32 $0x4  }
0xd6: {  	[tilespmem:s4], [sflag:$0x1] =	stream.indirect_vreg.gather [hbm4b:s7+s3], $0x80, v3, vm0, $0xb8;
	[tilespmem:$0x1C100] =	vst v63  }
0xd7: {  	_ =	swait.ge [sflag:s2], $0x4000  }
0xd8: {  	[sflag:s2] =	ssyncset.done $0x0  }
0xd9: {  	s14 =	rddreg [dreg:$0x7];
	[sflag:s2] =	ssyncadd.s32 $0xFFFFC000  }
0xda: {  	[hbm4b:s14+s3] =	stream.linear.scatter [tilespmem:s31], [sflag:$0xB], $0x4000, $0x38;
	[tilespmem:$0x1C100] =	vst v63  }
0xdb: {  	_ =	swait.ge [sflag:s12], $0x4000  }
0xdc: {  	[sflag:s12] =	ssyncset.done $0x0  }
0xdd: {  	[sflag:s12] =	ssyncadd.s32 $0xFFFFC000  }
0xde: {  	v3 =	vld [tilespmem:$0x80];
	_ =	sdelay $0x4  }
0xdf: {  	v56 =	vshll.u32 v3, $0x3  }
0xe0: {  	v3 =	vand.u32 $0x7, v3;
	v4 =	vand.u32 $0xFFFFFFC0, v56  }
0xe1: {  	v3 =	vor.u32 v3, v4  }
0xe2: {  	v4 =	vperm.xlane v3, v0;
	_ =	sdelay $0x1  }
0xe3: {  	v4 =	vadd.s32 v1, v4;
	_ =	sdelay $0x4  }
0xe4: {  	[tilespmem:s10], [sflag:$0x2] =	stream.indirect_vreg.gather [hbm4b:s1+s3], $0x80, v4, vm0, $0xb8;
	[tilespmem:$0x1C100] =	vst v63  }
0xe5: {  	s22 =	simm.s32 $0x4900;
	v3 =	vperm.xlane v3, v2  }
0xe6: {  	[tilespmem:s22], [sflag:$0x2] =	stream.indirect_vreg.gather [hbm4b:s5+s3], $0x80, v4, vm0, $0xb8;
	[tilespmem:$0x1C100] =	vst v63  }
0xe7: {  	s14 =	simm.s32 $0x5100;
	v3 =	vadd.s32 v1, v3  }
0xe8: {  	[tilespmem:s14], [sflag:$0x2] =	stream.indirect_vreg.gather [hbm4b:s6+s3], $0x80, v4, vm0, $0xb8;
	[tilespmem:$0x1C100] =	vst v63  }
0xe9: {  	s22 =	simm.s32 $0x5900  }
0xea: {  	[tilespmem:s22], [sflag:$0x2] =	stream.indirect_vreg.gather [hbm4b:s7+s3], $0x80, v4, vm0, $0xb8;
	[tilespmem:$0x1C100] =	vst v63  }
0xeb: {  	s14 =	simm.s32 $0x6100  }
0xec: {  	[tilespmem:s14], [sflag:$0x2] =	stream.indirect_vreg.gather [hbm4b:s1+s3], $0x80, v3, vm0, $0xb8;
	[tilespmem:$0x1C100] =	vst v63  }
0xed: {  	s22 =	simm.s32 $0x6900  }
0xee: {  	[tilespmem:s22], [sflag:$0x2] =	stream.indirect_vreg.gather [hbm4b:s5+s3], $0x80, v3, vm0, $0xb8;
	[tilespmem:$0x1C100] =	vst v63  }
0xef: {  	s14 =	simm.s32 $0x7100  }
0xf0: {  	[tilespmem:s14], [sflag:$0x2] =	stream.indirect_vreg.gather [hbm4b:s6+s3], $0x80, v3, vm0, $0xb8;
	[tilespmem:$0x1C100] =	vst v63  }
0xf1: {  	s4 =	simm.s32 $0x5;
	s22 =	simm.s32 $0x7900  }
0xf2: {  	[tilespmem:s22], [sflag:$0x2] =	stream.indirect_vreg.gather [hbm4b:s7+s3], $0x80, v3, vm0, $0xb8;
	[tilespmem:$0x1C100] =	vst v63  }
0xf3: {  	_ =	swait.ge [sflag:s4], $0x4000  }
0xf4: {  	[sflag:s4] =	ssyncset.done $0x0  }
0xf5: {  	s14 =	rddreg [dreg:$0x8];
	[sflag:s4] =	ssyncadd.s32 $0xFFFFC000  }
0xf6: {  	[hbm4b:s14+s3] =	stream.linear.scatter [tilespmem:s20], [sflag:$0xC], $0x4000, $0x38;
	[tilespmem:$0x1C100] =	vst v63  }
0xf7: {  	s14 =	simm.s32 $0xA  }
0xf8: {  	_ =	swait.ge [sflag:s14], $0x4000  }
0xf9: {  	[sflag:s14] =	ssyncset.done $0x0  }
0xfa: {  	[sflag:s14] =	ssyncadd.s32 $0xFFFFC000  }
0xfb: {  	v3 =	vld [tilespmem:$0x90];
	_ =	sdelay $0x4  }
0xfc: {  	v57 =	vshll.u32 v3, $0x3  }
0xfd: {  	v3 =	vand.u32 $0x7, v3;
	v4 =	vand.u32 $0xFFFFFFC0, v57  }
0xfe: {  	v3 =	vor.u32 v3, v4  }
0xff: {  	v4 =	vperm.xlane v3, v0;
	_ =	sdelay $0x1  }
0x100: {  	v4 =	vadd.s32 v1, v4;
	_ =	sdelay $0x4  }
0x101: {  	[tilespmem:s15], [sflag:$0x3] =	stream.indirect_vreg.gather [hbm4b:s1+s3], $0x80, v4, vm0, $0xb8;
	[tilespmem:$0x1C100] =	vst v63  }
0x102: {  	v3 =	vperm.xlane v3, v2  }
0x103: {  	[tilespmem:s28], [sflag:$0x3] =	stream.indirect_vreg.gather [hbm4b:s5+s3], $0x80, v4, vm0, $0xb8;
	[tilespmem:$0x1C100] =	vst v63  }
0x104: {  	v3 =	vadd.s32 v1, v3  }
0x105: {  	[tilespmem:s18], [sflag:$0x3] =	stream.indirect_vreg.gather [hbm4b:s6+s3], $0x80, v4, vm0, $0xb8;
	[tilespmem:$0x1C100] =	vst v63  }
0x106: {  	_ = 	snop  }
0x107: {  	[tilespmem:s23], [sflag:$0x3] =	stream.indirect_vreg.gather [hbm4b:s7+s3], $0x80, v4, vm0, $0xb8;
	[tilespmem:$0x1C100] =	vst v63  }
0x108: {  	_ = 	snop  }
0x109: {  	[tilespmem:s24], [sflag:$0x3] =	stream.indirect_vreg.gather [hbm4b:s1+s3], $0x80, v3, vm0, $0xb8;
	[tilespmem:$0x1C100] =	vst v63  }
0x10a: {  	_ = 	snop  }
0x10b: {  	[tilespmem:s25], [sflag:$0x3] =	stream.indirect_vreg.gather [hbm4b:s5+s3], $0x80, v3, vm0, $0xb8;
	[tilespmem:$0x1C100] =	vst v63  }
0x10c: {  	_ = 	snop  }
0x10d: {  	[tilespmem:s26], [sflag:$0x3] =	stream.indirect_vreg.gather [hbm4b:s6+s3], $0x80, v3, vm0, $0xb8;
	[tilespmem:$0x1C100] =	vst v63  }
0x10e: {  	s18 =	simm.s32 $0x6  }
0x10f: {  	[tilespmem:s29], [sflag:$0x3] =	stream.indirect_vreg.gather [hbm4b:s7+s3], $0x80, v3, vm0, $0xb8;
	[tilespmem:$0x1C100] =	vst v63  }
0x110: {  	_ =	swait.ge [sflag:s18], $0x4000  }
0x111: {  	[sflag:s18] =	ssyncset.done $0x0  }
0x112: {  	s23 =	simm.s32 $0xB;
	s24 =	rddreg [dreg:$0x9];
	[sflag:s18] =	ssyncadd.s32 $0xFFFFC000  }
0x113: {  	[hbm4b:s24+s3] =	stream.linear.scatter [tilespmem:s16], [sflag:$0xD], $0x4000, $0x38;
	[tilespmem:$0x1C100] =	vst v63  }
0x114: {  	_ =	swait.ge [sflag:s23], $0x4000  }
0x115: {  	[sflag:s23] =	ssyncset.done $0x0  }
0x116: {  	[sflag:s23] =	ssyncadd.s32 $0xFFFFC000  }
0x117: {  	v3 =	vld [tilespmem:$0xA0];
	_ =	sdelay $0x4  }
0x118: {  	v58 =	vshll.u32 v3, $0x3  }
0x119: {  	v3 =	vand.u32 $0x7, v3;
	v4 =	vand.u32 $0xFFFFFFC0, v58  }
0x11a: {  	v3 =	vor.u32 v3, v4  }
0x11b: {  	v4 =	vperm.xlane v3, v0;
	_ =	sdelay $0x1  }
0x11c: {  	v4 =	vadd.s32 v1, v4;
	_ =	sdelay $0x4  }
0x11d: {  	[tilespmem:s31], [sflag:$0x4] =	stream.indirect_vreg.gather [hbm4b:s1+s3], $0x80, v4, vm0, $0xb8;
	[tilespmem:$0x1C100] =	vst v63  }
0x11e: {  	v3 =	vperm.xlane v3, v2  }
0x11f: {  	[tilespmem:s21], [sflag:$0x4] =	stream.indirect_vreg.gather [hbm4b:s5+s3], $0x80, v4, vm0, $0xb8;
	[tilespmem:$0x1C100] =	vst v63  }
0x120: {  	s25 =	simm.s32 $0xD100;
	v3 =	vadd.s32 v1, v3  }
0x121: {  	[tilespmem:s25], [sflag:$0x4] =	stream.indirect_vreg.gather [hbm4b:s6+s3], $0x80, v4, vm0, $0xb8;
	[tilespmem:$0x1C100] =	vst v63  }
0x122: {  	s22 =	simm.s32 $0xD900  }
0x123: {  	[tilespmem:s22], [sflag:$0x4] =	stream.indirect_vreg.gather [hbm4b:s7+s3], $0x80, v4, vm0, $0xb8;
	[tilespmem:$0x1C100] =	vst v63  }
0x124: {  	s24 =	simm.s32 $0xE100  }
0x125: {  	[tilespmem:s24], [sflag:$0x4] =	stream.indirect_vreg.gather [hbm4b:s1+s3], $0x80, v3, vm0, $0xb8;
	[tilespmem:$0x1C100] =	vst v63  }
0x126: {  	s25 =	simm.s32 $0xE900  }
0x127: {  	[tilespmem:s25], [sflag:$0x4] =	stream.indirect_vreg.gather [hbm4b:s5+s3], $0x80, v3, vm0, $0xb8;
	[tilespmem:$0x1C100] =	vst v63  }
0x128: {  	s22 =	simm.s32 $0xF100  }
0x129: {  	[tilespmem:s22], [sflag:$0x4] =	stream.indirect_vreg.gather [hbm4b:s6+s3], $0x80, v3, vm0, $0xb8;
	[tilespmem:$0x1C100] =	vst v63  }
0x12a: {  	_ = 	snop  }
0x12b: {  	[tilespmem:s19], [sflag:$0x4] =	stream.indirect_vreg.gather [hbm4b:s7+s3], $0x80, v3, vm0, $0xb8;
	[tilespmem:$0x1C100] =	vst v63  }
0x12c: {  	s19 =	simm.s32 $0x7  }
0x12d: {  	_ =	swait.ge [sflag:s19], $0x4000  }
0x12e: {  	[sflag:s19] =	ssyncset.done $0x0  }
0x12f: {  	s21 =	simm.s32 $0xC;
	s24 =	rddreg [dreg:$0xa];
	[sflag:s19] =	ssyncadd.s32 $0xFFFFC000  }
0x130: {  	[hbm4b:s24+s3] =	stream.linear.scatter [tilespmem:s13], [sflag:$0xE], $0x4000, $0x38;
	[tilespmem:$0x1C100] =	vst v63  }
0x131: {  	_ =	swait.ge [sflag:s21], $0x4000  }
0x132: {  	[sflag:s21] =	ssyncset.done $0x0  }
0x133: {  	[sflag:s21] =	ssyncadd.s32 $0xFFFFC000  }
0x134: {  	v3 =	vld [tilespmem:$0xB0];
	_ =	sdelay $0x4  }
0x135: {  	v59 =	vshll.u32 v3, $0x3  }
0x136: {  	v3 =	vand.u32 $0x7, v3;
	v4 =	vand.u32 $0xFFFFFFC0, v59  }
0x137: {  	v3 =	vor.u32 v3, v4  }
0x138: {  	v4 =	vperm.xlane v3, v0;
	_ =	sdelay $0x1  }
0x139: {  	v4 =	vadd.s32 v1, v4;
	_ =	sdelay $0x4  }
0x13a: {  	[tilespmem:s20], [sflag:$0x5] =	stream.indirect_vreg.gather [hbm4b:s1+s3], $0x80, v4, vm0, $0xb8;
	[tilespmem:$0x1C100] =	vst v63  }
0x13b: {  	s25 =	simm.s32 $0x10900;
	v3 =	vperm.xlane v3, v2  }
0x13c: {  	[tilespmem:s25], [sflag:$0x5] =	stream.indirect_vreg.gather [hbm4b:s5+s3], $0x80, v4, vm0, $0xb8;
	[tilespmem:$0x1C100] =	vst v63  }
0x13d: {  	s24 =	simm.s32 $0x11100;
	v3 =	vadd.s32 v1, v3  }
0x13e: {  	[tilespmem:s24], [sflag:$0x5] =	stream.indirect_vreg.gather [hbm4b:s6+s3], $0x80, v4, vm0, $0xb8;
	[tilespmem:$0x1C100] =	vst v63  }
0x13f: {  	s25 =	simm.s32 $0x11900  }
0x140: {  	[tilespmem:s25], [sflag:$0x5] =	stream.indirect_vreg.gather [hbm4b:s7+s3], $0x80, v4, vm0, $0xb8;
	[tilespmem:$0x1C100] =	vst v63  }
0x141: {  	s24 =	simm.s32 $0x12100  }
0x142: {  	[tilespmem:s24], [sflag:$0x5] =	stream.indirect_vreg.gather [hbm4b:s1+s3], $0x80, v3, vm0, $0xb8;
	[tilespmem:$0x1C100] =	vst v63  }
0x143: {  	s25 =	simm.s32 $0x12900  }
0x144: {  	[tilespmem:s25], [sflag:$0x5] =	stream.indirect_vreg.gather [hbm4b:s5+s3], $0x80, v3, vm0, $0xb8;
	[tilespmem:$0x1C100] =	vst v63  }
0x145: {  	s24 =	simm.s32 $0x13100  }
0x146: {  	[tilespmem:s24], [sflag:$0x5] =	stream.indirect_vreg.gather [hbm4b:s6+s3], $0x80, v3, vm0, $0xb8;
	[tilespmem:$0x1C100] =	vst v63  }
0x147: {  	s25 =	simm.s32 $0x13900  }
0x148: {  	[tilespmem:s25], [sflag:$0x5] =	stream.indirect_vreg.gather [hbm4b:s7+s3], $0x80, v3, vm0, $0xb8;
	[tilespmem:$0x1C100] =	vst v63  }
0x149: {  	_ =	swait.ge [sflag:s17], $0x4000  }
0x14a: {  	[sflag:s17] =	ssyncset.done $0x0  }
0x14b: {  	s24 =	rddreg [dreg:$0xb];
	[sflag:s17] =	ssyncadd.s32 $0xFFFFC000  }
0x14c: {  	[hbm4b:s24+s3] =	stream.linear.scatter [tilespmem:s11], [sflag:$0x8], $0x4000, $0x38;
	[tilespmem:$0x1C100] =	vst v63  }
0x14d: {  	s24 =	simm.s32 $0xD  }
0x14e: {  	_ =	swait.ge [sflag:s24], $0x4000  }
0x14f: {  	[sflag:s24] =	ssyncset.done $0x0  }
0x150: {  	[sflag:s24] =	ssyncadd.s32 $0xFFFFC000  }
0x151: {  	v3 =	vld [tilespmem:$0xC0];
	_ =	sdelay $0x4  }
0x152: {  	v60 =	vshll.u32 v3, $0x3  }
0x153: {  	v3 =	vand.u32 $0x7, v3;
	v4 =	vand.u32 $0xFFFFFFC0, v60  }
0x154: {  	v3 =	vor.u32 v3, v4  }
0x155: {  	v4 =	vperm.xlane v3, v0;
	_ =	sdelay $0x1  }
0x156: {  	v4 =	vadd.s32 v1, v4;
	_ =	sdelay $0x4  }
0x157: {  	[tilespmem:s16], [sflag:$0x6] =	stream.indirect_vreg.gather [hbm4b:s1+s3], $0x80, v4, vm0, $0xb8;
	[tilespmem:$0x1C100] =	vst v63  }
0x158: {  	s25 =	simm.s32 $0x14900;
	v3 =	vperm.xlane v3, v2  }
0x159: {  	[tilespmem:s25], [sflag:$0x6] =	stream.indirect_vreg.gather [hbm4b:s5+s3], $0x80, v4, vm0, $0xb8;
	[tilespmem:$0x1C100] =	vst v63  }
0x15a: {  	v3 =	vadd.s32 v1, v3;
	s25 =	simm.s32 $0x15100  }
0x15b: {  	[tilespmem:s25], [sflag:$0x6] =	stream.indirect_vreg.gather [hbm4b:s6+s3], $0x80, v4, vm0, $0xb8;
	[tilespmem:$0x1C100] =	vst v63  }
0x15c: {  	s25 =	simm.s32 $0x15900  }
0x15d: {  	[tilespmem:s25], [sflag:$0x6] =	stream.indirect_vreg.gather [hbm4b:s7+s3], $0x80, v4, vm0, $0xb8;
	[tilespmem:$0x1C100] =	vst v63  }
0x15e: {  	s25 =	simm.s32 $0x16100  }
0x15f: {  	[tilespmem:s25], [sflag:$0x6] =	stream.indirect_vreg.gather [hbm4b:s1+s3], $0x80, v3, vm0, $0xb8;
	[tilespmem:$0x1C100] =	vst v63  }
0x160: {  	s25 =	simm.s32 $0x16900  }
0x161: {  	[tilespmem:s25], [sflag:$0x6] =	stream.indirect_vreg.gather [hbm4b:s5+s3], $0x80, v3, vm0, $0xb8;
	[tilespmem:$0x1C100] =	vst v63  }
0x162: {  	s25 =	simm.s32 $0x17100  }
0x163: {  	[tilespmem:s25], [sflag:$0x6] =	stream.indirect_vreg.gather [hbm4b:s6+s3], $0x80, v3, vm0, $0xb8;
	[tilespmem:$0x1C100] =	vst v63  }
0x164: {  	s25 =	simm.s32 $0x17900  }
0x165: {  	[tilespmem:s25], [sflag:$0x6] =	stream.indirect_vreg.gather [hbm4b:s7+s3], $0x80, v3, vm0, $0xb8;
	[tilespmem:$0x1C100] =	vst v63  }
0x166: {  	_ =	swait.ge [sflag:s30], $0x4000  }
0x167: {  	[sflag:s30] =	ssyncset.done $0x0  }
0x168: {  	s25 =	rddreg [dreg:$0xc];
	[sflag:s30] =	ssyncadd.s32 $0xFFFFC000  }
0x169: {  	[hbm4b:s25+s3] =	stream.linear.scatter [tilespmem:s10], [sflag:$0x9], $0x4000, $0x38;
	[tilespmem:$0x1C100] =	vst v63  }
0x16a: {  	s25 =	simm.s32 $0xE  }
0x16b: {  	_ =	swait.ge [sflag:s25], $0x4000  }
0x16c: {  	[sflag:s25] =	ssyncset.done $0x0  }
0x16d: {  	[sflag:s25] =	ssyncadd.s32 $0xFFFFC000  }
0x16e: {  	v3 =	vld [tilespmem:$0xD0];
	_ =	sdelay $0x4  }
0x16f: {  	v61 =	vshll.u32 v3, $0x3  }
0x170: {  	v3 =	vand.u32 $0x7, v3;
	v4 =	vand.u32 $0xFFFFFFC0, v61  }
0x171: {  	v3 =	vor.u32 v3, v4  }
0x172: {  	v4 =	vperm.xlane v3, v0;
	_ =	sdelay $0x1  }
0x173: {  	v4 =	vadd.s32 v1, v4;
	_ =	sdelay $0x4  }
0x174: {  	[tilespmem:s13], [sflag:$0x7] =	stream.indirect_vreg.gather [hbm4b:s1+s3], $0x80, v4, vm0, $0xb8;
	[tilespmem:$0x1C100] =	vst v63  }
0x175: {  	s22 =	simm.s32 $0x18900;
	v3 =	vperm.xlane v3, v2  }
0x176: {  	[tilespmem:s22], [sflag:$0x7] =	stream.indirect_vreg.gather [hbm4b:s5+s3], $0x80, v4, vm0, $0xb8;
	[tilespmem:$0x1C100] =	vst v63  }
0x177: {  	v3 =	vadd.s32 v1, v3;
	s22 =	simm.s32 $0x19100  }
0x178: {  	[tilespmem:s22], [sflag:$0x7] =	stream.indirect_vreg.gather [hbm4b:s6+s3], $0x80, v4, vm0, $0xb8;
	[tilespmem:$0x1C100] =	vst v63  }
0x179: {  	s22 =	simm.s32 $0x19900  }
0x17a: {  	[tilespmem:s22], [sflag:$0x7] =	stream.indirect_vreg.gather [hbm4b:s7+s3], $0x80, v4, vm0, $0xb8;
	[tilespmem:$0x1C100] =	vst v63  }
0x17b: {  	s22 =	simm.s32 $0x1A100  }
0x17c: {  	[tilespmem:s22], [sflag:$0x7] =	stream.indirect_vreg.gather [hbm4b:s1+s3], $0x80, v3, vm0, $0xb8;
	[tilespmem:$0x1C100] =	vst v63  }
0x17d: {  	s22 =	simm.s32 $0x1A900  }
0x17e: {  	[tilespmem:s22], [sflag:$0x7] =	stream.indirect_vreg.gather [hbm4b:s5+s3], $0x80, v3, vm0, $0xb8;
	[tilespmem:$0x1C100] =	vst v63  }
0x17f: {  	s22 =	simm.s32 $0x1B100  }
0x180: {  	[tilespmem:s22], [sflag:$0x7] =	stream.indirect_vreg.gather [hbm4b:s6+s3], $0x80, v3, vm0, $0xb8;
	[tilespmem:$0x1C100] =	vst v63  }
0x181: {  	s22 =	simm.s32 $0x1B900  }
0x182: {  	[tilespmem:s22], [sflag:$0x7] =	stream.indirect_vreg.gather [hbm4b:s7+s3], $0x80, v3, vm0, $0xb8;
	[tilespmem:$0x1C100] =	vst v63  }
0x183: {  	_ =	swait.ge [sflag:s0], $0x4000  }
0x184: {  	[sflag:s0] =	ssyncset.done $0x0  }
0x185: {  	s22 =	rddreg [dreg:$0xd];
	[sflag:s0] =	ssyncadd.s32 $0xFFFFC000  }
0x186: {  	[hbm4b:s22+s3] =	stream.linear.scatter [tilespmem:s15], [sflag:$0xA], $0x4000, $0x38;
	[tilespmem:$0x1C100] =	vst v63  }
0x187: {  	_ =	swait.ge [sflag:s9], $0x4000  }
0x188: {  	[sflag:s9] =	ssyncset.done $0x0  }
0x189: {  	[sflag:s9] =	ssyncadd.s32 $0xFFFFC000  }
0x18a: {  	v3 =	vld [tilespmem:$0xE0];
	_ =	sdelay $0x4  }
0x18b: {  	v62 =	vshll.u32 v3, $0x3  }
0x18c: {  	v3 =	vand.u32 $0x7, v3;
	v4 =	vand.u32 $0xFFFFFFC0, v62  }
0x18d: {  	v3 =	vor.u32 v3, v4  }
0x18e: {  	v4 =	vperm.xlane v3, v0;
	_ =	sdelay $0x1  }
0x18f: {  	v4 =	vadd.s32 v1, v4;
	_ =	sdelay $0x4  }
0x190: {  	[tilespmem:s11], [sflag:$0x1] =	stream.indirect_vreg.gather [hbm4b:s1+s3], $0x80, v4, vm0, $0xb8;
	[tilespmem:$0x1C100] =	vst v63  }
0x191: {  	s22 =	simm.s32 $0x900;
	v3 =	vperm.xlane v3, v2  }
0x192: {  	[tilespmem:s22], [sflag:$0x1] =	stream.indirect_vreg.gather [hbm4b:s5+s3], $0x80, v4, vm0, $0xb8;
	[tilespmem:$0x1C100] =	vst v63  }
0x193: {  	v3 =	vadd.s32 v1, v3;
	s22 =	simm.s32 $0x1100  }
0x194: {  	[tilespmem:s22], [sflag:$0x1] =	stream.indirect_vreg.gather [hbm4b:s6+s3], $0x80, v4, vm0, $0xb8;
	[tilespmem:$0x1C100] =	vst v63  }
0x195: {  	s22 =	simm.s32 $0x1900  }
0x196: {  	[tilespmem:s22], [sflag:$0x1] =	stream.indirect_vreg.gather [hbm4b:s7+s3], $0x80, v4, vm0, $0xb8;
	[tilespmem:$0x1C100] =	vst v63  }
0x197: {  	s22 =	simm.s32 $0x2100  }
0x198: {  	[tilespmem:s22], [sflag:$0x1] =	stream.indirect_vreg.gather [hbm4b:s1+s3], $0x80, v3, vm0, $0xb8;
	[tilespmem:$0x1C100] =	vst v63  }
0x199: {  	s22 =	simm.s32 $0x2900  }
0x19a: {  	[tilespmem:s22], [sflag:$0x1] =	stream.indirect_vreg.gather [hbm4b:s5+s3], $0x80, v3, vm0, $0xb8;
	[tilespmem:$0x1C100] =	vst v63  }
0x19b: {  	s22 =	simm.s32 $0x3100  }
0x19c: {  	[tilespmem:s22], [sflag:$0x1] =	stream.indirect_vreg.gather [hbm4b:s6+s3], $0x80, v3, vm0, $0xb8;
	[tilespmem:$0x1C100] =	vst v63  }
0x19d: {  	s22 =	simm.s32 $0x3900  }
0x19e: {  	[tilespmem:s22], [sflag:$0x1] =	stream.indirect_vreg.gather [hbm4b:s7+s3], $0x80, v3, vm0, $0xb8;
	[tilespmem:$0x1C100] =	vst v63  }
0x19f: {  	_ =	swait.ge [sflag:s2], $0x4000  }
0x1a0: {  	[sflag:s2] =	ssyncset.done $0x0  }
0x1a1: {  	s0 =	rddreg [dreg:$0xe];
	[sflag:s2] =	ssyncadd.s32 $0xFFFFC000  }
0x1a2: {  	[hbm4b:s0+s3] =	stream.linear.scatter [tilespmem:s31], [sflag:$0xB], $0x4000, $0x38;
	[tilespmem:$0x1C100] =	vst v63  }
0x1a3: {  	_ =	swait.ge [sflag:s12], $0x4000  }
0x1a4: {  	[sflag:s12] =	ssyncset.done $0x0  }
0x1a5: {  	[sflag:s12] =	ssyncadd.s32 $0xFFFFC000  }
0x1a6: {  	v3 =	vld [tilespmem:$0xF0];
	_ =	sdelay $0x4  }
0x1a7: {  	v63 =	vshll.u32 v3, $0x3  }
0x1a8: {  	v3 =	vand.u32 $0x7, v3;
	v4 =	vand.u32 $0xFFFFFFC0, v63  }
0x1a9: {  	v3 =	vor.u32 v3, v4  }
0x1aa: {  	v4 =	vperm.xlane v3, v0;
	_ =	sdelay $0x1  }
0x1ab: {  	v4 =	vadd.s32 v1, v4;
	_ =	sdelay $0x4  }
0x1ac: {  	[tilespmem:s10], [sflag:$0x2] =	stream.indirect_vreg.gather [hbm4b:s1+s3], $0x80, v4, vm0, $0xb8;
	[tilespmem:$0x1C100] =	vst v63  }
0x1ad: {  	s22 =	simm.s32 $0x4900;
	v3 =	vperm.xlane v3, v2  }
0x1ae: {  	[tilespmem:s22], [sflag:$0x2] =	stream.indirect_vreg.gather [hbm4b:s5+s3], $0x80, v4, vm0, $0xb8;
	[tilespmem:$0x1C100] =	vst v63  }
0x1af: {  	s2 =	simm.s32 $0x5100;
	v3 =	vadd.s32 v1, v3  }
0x1b0: {  	[tilespmem:s2], [sflag:$0x2] =	stream.indirect_vreg.gather [hbm4b:s6+s3], $0x80, v4, vm0, $0xb8;
	[tilespmem:$0x1C100] =	vst v63  }
0x1b1: {  	s22 =	simm.s32 $0x5900  }
0x1b2: {  	[tilespmem:s22], [sflag:$0x2] =	stream.indirect_vreg.gather [hbm4b:s7+s3], $0x80, v4, vm0, $0xb8;
	[tilespmem:$0x1C100] =	vst v63  }
0x1b3: {  	s2 =	simm.s32 $0x6100  }
0x1b4: {  	[tilespmem:s2], [sflag:$0x2] =	stream.indirect_vreg.gather [hbm4b:s1+s3], $0x80, v3, vm0, $0xb8;
	[tilespmem:$0x1C100] =	vst v63  }
0x1b5: {  	s22 =	simm.s32 $0x6900  }
0x1b6: {  	[tilespmem:s22], [sflag:$0x2] =	stream.indirect_vreg.gather [hbm4b:s5+s3], $0x80, v3, vm0, $0xb8;
	[tilespmem:$0x1C100] =	vst v63  }
0x1b7: {  	s2 =	simm.s32 $0x7100  }
0x1b8: {  	[tilespmem:s2], [sflag:$0x2] =	stream.indirect_vreg.gather [hbm4b:s6+s3], $0x80, v3, vm0, $0xb8;
	[tilespmem:$0x1C100] =	vst v63  }
0x1b9: {  	s22 =	simm.s32 $0x7900  }
0x1ba: {  	[tilespmem:s22], [sflag:$0x2] =	stream.indirect_vreg.gather [hbm4b:s7+s3], $0x80, v3, vm0, $0xb8;
	[tilespmem:$0x1C100] =	vst v63  }
0x1bb: {  	_ =	swait.ge [sflag:s4], $0x4000  }
0x1bc: {  	[sflag:s4] =	ssyncset.done $0x0  }
0x1bd: {  	s0 =	rddreg [dreg:$0xf];
	[sflag:s4] =	ssyncadd.s32 $0xFFFFC000  }
0x1be: {  	[hbm4b:s0+s3] =	stream.linear.scatter [tilespmem:s20], [sflag:$0xC], $0x4000, $0x38;
	[tilespmem:$0x1C100] =	vst v63  }
0x1bf: {  	_ =	swait.ge [sflag:s18], $0x4000  }
0x1c0: {  	[sflag:s18] =	ssyncset.done $0x0  }
0x1c1: {  	s2 =	rddreg [dreg:$0x10];
	[sflag:s18] =	ssyncadd.s32 $0xFFFFC000  }
0x1c2: {  	[hbm4b:s2+s3] =	stream.linear.scatter [tilespmem:s16], [sflag:$0xD], $0x4000, $0x38;
	[tilespmem:$0x1C100] =	vst v63  }
0x1c3: {  	_ =	swait.ge [sflag:s19], $0x4000  }
0x1c4: {  	[sflag:s19] =	ssyncset.done $0x0  }
0x1c5: {  	s4 =	rddreg [dreg:$0x11];
	[sflag:s19] =	ssyncadd.s32 $0xFFFFC000  }
0x1c6: {  	[hbm4b:s4+s3] =	stream.linear.scatter [tilespmem:s13], [sflag:$0xE], $0x4000, $0x38;
	[tilespmem:$0x1C100] =	vst v63  }
0x1c7: {  	_ =	swait.ge [sflag:s17], $0x4000  }
0x1c8: {  	[sflag:s17] =	ssyncset.done $0x0  }
0x1c9: {  	s18 =	rddreg [dreg:$0x12];
	[sflag:s17] =	ssyncadd.s32 $0xFFFFC000  }
0x1ca: {  	[hbm4b:s18+s3] =	stream.linear.scatter [tilespmem:s11], [sflag:$0x8], $0x4000, $0x38;
	[tilespmem:$0x1C100] =	vst v63  }
0x1cb: {  	_ =	swait.ge [sflag:s30], $0x4000  }
0x1cc: {  	[sflag:s30] =	ssyncset.done $0x0  }
0x1cd: {  	s19 =	rddreg [dreg:$0x13];
	[sflag:s30] =	ssyncadd.s32 $0xFFFFC000  }
0x1ce: {  	[hbm4b:s19+s3] =	stream.linear.scatter [tilespmem:s10], [sflag:$0x9], $0x4000, $0x38;
	[tilespmem:$0x1C100] =	vst v63  }
0x1cf: {  	_ =	swait.ge [sflag:s14], $0x4000  }
0x1d0: {  	[sflag:s14] =	ssyncset.done $0x0  }
0x1d1: {  	[sflag:s14] =	ssyncadd.s32 $0xFFFFC000  }
0x1d2: {  	_ =	swait.ge [sflag:s23], $0x4000  }
0x1d3: {  	[sflag:s23] =	ssyncset.done $0x0  }
0x1d4: {  	[sflag:s23] =	ssyncadd.s32 $0xFFFFC000  }
0x1d5: {  	_ =	swait.ge [sflag:s21], $0x4000  }
0x1d6: {  	[sflag:s21] =	ssyncset.done $0x0  }
0x1d7: {  	[sflag:s21] =	ssyncadd.s32 $0xFFFFC000  }
0x1d8: {  	_ =	swait.ge [sflag:s24], $0x4000  }
0x1d9: {  	[sflag:s24] =	ssyncset.done $0x0  }
0x1da: {  	[sflag:s24] =	ssyncadd.s32 $0xFFFFC000  }
0x1db: {  	_ =	swait.ge [sflag:s25], $0x4000  }
0x1dc: {  	[sflag:s25] =	ssyncset.done $0x0  }
0x1dd: {  	[sflag:s25] =	ssyncadd.s32 $0xFFFFC000  }
0x1de: {  	p0 =	sne.s32 s8, $0x1;
	_ =	swait.ge [sflag:s9], $0x4000  }
.Ltmp0:
0x1df: {  	[sflag:s9] =	ssyncset.done $0x0;
	(pc) =	sbr.rel @p0 .LBB2_1-.Ltmp0, $4  }
0x1e0: {  	[sflag:s9] =	ssyncadd.s32 $0xFFFFC000  }
0x1e1: {  	_ =	swait.ge [sflag:s12], $0x4000  }
0x1e2: {  	[sflag:s12] =	ssyncset.done $0x0  }
0x1e3: {  	s8 =	sadd.s32 $0xFFFFFFFF, s8;
	[sflag:s12] =	ssyncadd.s32 $0xFFFFC000  }
0x1e4: {  	_ =	sfence.sel $0x180000  }
0x1e5: {  	[bflag:$0x0] =	sbarrier.arrive $0xFFFF  }
0x1e6: {  	_ =	strace $0x90000047  }
0x1e7: {  	s0 =	stileid.u32;
	[bflag:$0x2] =	sbarrier.arrive $0xFFFF  }
0x1e8: {  	p0 =	sne.s32 s0, $0x0;
	s0 =	rddreg [dreg:$0x3]  }
0x1e9: {  	s0 =	sadd.s32 @!p0 $0x100000, s0  }
0x1ea: {  	[sflag:s0] =	ssyncadd.tile.s32 @!p0 $0x1;
	_ =	shalt  }
.Lfunc_end2:
_tile_overlayer_lowered:
.L_overlay_start_2:
0x1eb: {  	(tag) =	ssettag $0x2  }
0x1ec: {  	s0 =	rddreg [dreg:$0x0];
	s2 =	stileid.u32  }
0x1ed: {  	s1 =	rddreg [dreg:$0x1];
	p0 =	sne.s32 s2, $0x0  }
0x1ee: {  	s3 =	rddreg [dreg:$0x2];
	[bflag:$0x3] =	sbarrier.arrive $0xFFFF;
	s2 =	simm.s32 @!p0 $0x1C0F  }
0x1ef: {  	[timem:s3], [sflag:s2] =	dma.local @!p0 [hbm:s0], s1  }
0x1f0: {  	s0 =	simm.s32 @!p0 $0xF  }
0x1f1: {  	_ =	swait.ge @!p0 [sflag:s0], s1  }
0x1f2: {  	s1 =	ssub.s32 @!p0 $0x0, s1;
	[sflag:s0] =	ssyncset.done @!p0 $0x0  }
0x1f3: {  	[sflag:s0] =	ssyncadd.s32 @!p0 s1  }
0x1f4: {  	[bflag:$0x3] =	sbarrier.arrive $0xFFFF  }
0x1f5: {  	_ =	shalt  }

</sc_bundles>
